<compile_context>
chip_gen: v7x
topology: tpu7x:2x2x1
jax: 0.10.2.dev20260603
libtpu: 0.0.44.dev20260713+nightly
codegen_flags: <defaults>
</compile_context>

<pallas_src>
import functools

import jax
import jax.numpy as jnp
from jax.experimental import pallas as pl
from jax.experimental.pallas import tpu as pltpu
from jax.experimental.pallas import tpu_sc as plsc

_TINY = float(jnp.finfo(jnp.float32).tiny)
_NEG = -1e30
_VT = 2048
_ROW = 128


def _rotl(x, d):
    return (x << jnp.uint32(d)) | (x >> jnp.uint32(32 - d))


def _threefry(k0, k1, x0, x1):
    ks2 = k0 ^ k1 ^ jnp.uint32(0x1BD11BDA)
    ks = (k0, k1, ks2)
    rot = ((13, 15, 26, 6), (17, 29, 16, 24))
    x0 = x0 + ks[0]
    x1 = x1 + ks[1]
    for i in range(5):
        for r in rot[i % 2]:
            x0 = x0 + x1
            x1 = _rotl(x1, r)
            x1 = x0 ^ x1
        x0 = x0 + ks[(i + 1) % 3]
        x1 = x1 + ks[(i + 2) % 3] + jnp.uint32(i + 1)
    return x0, x1


def _gumbel_from_bits(bits):
    fl = jax.lax.bitcast_convert_type(
        (bits >> jnp.uint32(9)) | jnp.uint32(0x3F800000), jnp.float32)
    fl = fl - jnp.float32(1.0)
    u = jnp.maximum(jnp.float32(_TINY), fl + jnp.float32(_TINY))
    return -jnp.log(-jnp.log(u))


def _pass_a_body(emb_ref, mask_ref, qp_ref, wk_ref, bk_ref,
                 baseT_ref, su_ref, *, V, T, VT):
    i = pl.program_id(0)
    kp = jnp.dot(emb_ref[...], wk_ref[...].T,
                 preferred_element_type=jnp.float32) + bk_ref[...]
    bs = jnp.dot(kp, qp_ref[...].T, preferred_element_type=jnp.float32)
    bs = bs / jnp.sqrt(jnp.float32(kp.shape[1]))
    v_iota = jax.lax.broadcasted_iota(jnp.int32, bs.shape, 0) + i * VT
    bs = jnp.where(v_iota < V, bs, jnp.float32(_NEG))
    B = bs.shape[1]
    baseT_ref[...] = jnp.concatenate(
        [bs, jnp.zeros((bs.shape[0], _ROW - B), jnp.float32)], axis=1)
    ex = jnp.exp(bs)
    m = (mask_ref[...] < jnp.float32(0.01)).astype(jnp.float32)
    ones = jnp.ones((1, m.shape[1]), jnp.float32)
    zeros = jnp.zeros((1, m.shape[1]), jnp.float32)
    mx = jnp.concatenate([m, ones, zeros], axis=0)
    su = jnp.dot(mx, ex, preferred_element_type=jnp.float32)

    @pl.when(i == 0)
    def _():
        su_ref[...] = su

    @pl.when(i > 0)
    def _():
        su_ref[...] += su


def _pass_a(emb, mask_p, qp, Wk, bk, V, T, VP):
    B, E = qp.shape
    NT = VP // _VT
    return pl.pallas_call(
        functools.partial(_pass_a_body, V=V, T=T, VT=_VT),
        grid=(NT,),
        in_specs=[
            pl.BlockSpec((_VT, E), lambda i: (i, 0)),
            pl.BlockSpec((T, _VT), lambda i: (0, i)),
            pl.BlockSpec((B, E), lambda i: (0, 0)),
            pl.BlockSpec((E, E), lambda i: (0, 0)),
            pl.BlockSpec((1, E), lambda i: (0, 0)),
        ],
        out_specs=[
            pl.BlockSpec((_VT, _ROW), lambda i: (i, 0)),
            pl.BlockSpec((T + 2, B), lambda i: (0, 0)),
        ],
        out_shape=[
            jax.ShapeDtypeStruct((VP, _ROW), jnp.float32),
            jax.ShapeDtypeStruct((T + 2, B), jnp.float32),
        ],
    )(emb, mask_p, qp, Wk, bk)


def _compact_xla(mask_rand, V, T, CAP):
    BIG = jnp.int32(1 << 30)
    v_iota = jax.lax.broadcasted_iota(jnp.int32, mask_rand.shape, 1)
    keys = jnp.where(mask_rand < 0.01, BIG - v_iota, -v_iota)
    top, _ = jax.lax.top_k(keys, CAP)
    idx = jnp.where(top >= BIG - jnp.int32(V), BIG - top, jnp.int32(V))
    return idx.reshape(-1).astype(jnp.int32)


def _chunkskip_sc(mask_flat, V, T, VP, CAPC):
    J = VP // 16
    mesh = plsc.VectorSubcoreMesh(core_axis_name="c", subcore_axis_name="s")
    info = plsc.get_sparse_core_info()

    @functools.partial(
        pl.kernel, mesh=mesh,
        out_type=jax.ShapeDtypeStruct((T * CAPC * 32,), jnp.int32),
        scratch_types=[
            pltpu.VMEM((VP // 8,), jnp.float32),
            pltpu.VMEM((CAPC * 32,), jnp.int32),
            pltpu.VMEM((32,), jnp.int32),
        ],
    )
    def k(mask_hbm, mk_hbm, mrow, loc, tmp32):
        w = jax.lax.axis_index("s") * info.num_cores + jax.lax.axis_index("c")
        lane = jax.lax.iota(jnp.int32, 16)
        zeros16 = jnp.zeros((16,), jnp.int32)

        @pl.when(w < T)
        def _():
            t = w
            SEG = VP // 8

            def init_k(kk, _):
                loc[pl.ds(kk * 16, 16)] = jnp.full((16,), V, jnp.int32)
                return 0

            jax.lax.fori_loop(0, CAPC * 2, init_k, 0)
            ci = jax.lax.bitcast_convert_type(
                jnp.full((16,), 0.01, jnp.float32), jnp.int32)

            def step_seg(sg, carry0):
                pltpu.sync_copy(mask_hbm.at[pl.ds(t * VP + sg * SEG, SEG)],
                                mrow)

                def step_j(j, carry):
                    co, offs = carry
                    vec = mrow[pl.ds(j * 16, 16)]
                    vi = jax.lax.bitcast_convert_type(vec, jnp.int32)
                    sel = jax.lax.shift_right_arithmetic(ci - vi - 1, 31) + 1
                    gbase = sg * SEG + j * 16
                    marked = (gbase + lane) * sel + V * (1 - sel)
                    cs = sel
                    for d in (1, 2, 4, 8):
                        tmp32[pl.ds(0, 16)] = zeros16
                        tmp32[pl.ds(16, 16)] = cs
                        cs = cs + tmp32[pl.ds(16 - d, 16)]
                    cnt = cs[15]
                    coc = jnp.minimum(co, CAPC - 1)
                    loc[pl.ds(coc * 32, 16)] = marked
                    loc[pl.ds(coc * 32 + 16, 16)] = (
                        jnp.full((16,), 1, jnp.int32) * offs)
                    return (co + jnp.minimum(cnt, 1), offs + cnt)

                return jax.lax.fori_loop(0, SEG // 16, step_j, carry0)

            jax.lax.fori_loop(0, 8, step_seg,
                              (jnp.int32(0), jnp.int32(0)))
            pltpu.sync_copy(loc, mk_hbm.at[pl.ds(t * CAPC * 32, CAPC * 32)])

    return k(mask_flat)


def _tighten_body(mk_ref, idx_ref, *, V, CAPC, CAP):
    mk = mk_ref[0]
    marked = mk[:, :16]
    offs = mk[:, 16:17]
    sel = (marked < V).astype(jnp.float32)
    li = jax.lax.broadcasted_iota(jnp.int32, (16, 16), 0)
    lj = jax.lax.broadcasted_iota(jnp.int32, (16, 16), 1)
    lt = (lj <= li).astype(jnp.float32)
    cs = jax.lax.dot_general(sel, lt, (((1,), (1,)), ((), ())),
                             precision=jax.lax.Precision.HIGHEST)
    seli = sel.astype(jnp.int32)
    p = (offs + cs.astype(jnp.int32) - 1) * seli + CAP * (1 - seli)
    NH = CAP // 16
    mvf = marked.astype(jnp.float32)
    h_iota = jax.lax.broadcasted_iota(jnp.int32, (CAPC, NH), 1)
    l_iota = jax.lax.broadcasted_iota(jnp.int32, (CAPC, 16), 1)
    y = jnp.zeros((NH, 16), jnp.float32)
    c = jnp.zeros((NH, 16), jnp.float32)
    dn = (((0,), (0,)), ((), ()))
    for k in range(16):
        pk = p[:, k:k + 1]
        ih = ((pk >> 4) == h_iota).astype(jnp.float32)
        il = ((pk & 15) == l_iota).astype(jnp.float32)
        avl = mvf[:, k:k + 1] * il
        y = y + jax.lax.dot_general(ih, avl, dn,
                                    precision=jax.lax.Precision.HIGHEST)
        c = c + jax.lax.dot_general(ih, il, dn,
                                    precision=jax.lax.Precision.HIGHEST)
    idx = y + jnp.float32(V) * (jnp.float32(1.0) - c)
    idx_ref[...] = idx.astype(jnp.int32).reshape(1, NH, 16)


def _tighten_tc(mk_flat, V, T, CAPC, CAP):
    mk3 = mk_flat.reshape(T, CAPC, 32)
    NH = CAP // 16
    out = pl.pallas_call(
        functools.partial(_tighten_body, V=V, CAPC=CAPC, CAP=CAP),
        grid=(T,),
        in_specs=[pl.BlockSpec((1, CAPC, 32), lambda t: (t, 0, 0))],
        out_specs=pl.BlockSpec((1, NH, 16), lambda t: (t, 0, 0)),
        out_shape=jax.ShapeDtypeStruct((T, NH, 16), jnp.int32),
    )(mk3)
    return out.reshape(-1)


def _gather(baseT, idx_flat, tgt_flat, T, CAP, B):
    info = plsc.get_sparse_core_info()
    NW = info.num_cores * info.num_subcores
    CG = CAP // NW
    mesh = plsc.VectorSubcoreMesh(core_axis_name="c", subcore_axis_name="s")

    @functools.partial(
        pl.kernel, mesh=mesh,
        out_type=[
            jax.ShapeDtypeStruct((T, CAP, _ROW), jnp.float32),
            jax.ShapeDtypeStruct((T, B, _ROW), jnp.float32),
        ],
        scratch_types=[
            pltpu.VMEM((CG,), jnp.int32),
            pltpu.VMEM((CG,), jnp.int32),
            pltpu.VMEM((CG, _ROW), jnp.float32),
            pltpu.VMEM((CG, _ROW), jnp.float32),
            pltpu.VMEM((B,), jnp.int32),
            pltpu.VMEM((B, _ROW), jnp.float32),
            pltpu.SemaphoreType.DMA,
            pltpu.SemaphoreType.DMA,
        ],
    )
    def k(baseT_hbm, idx_hbm, tgt_hbm, cb_hbm, tb_hbm,
          idxv0, idxv1, rows0, rows1, tgtv, trows, sem0, sem1):
        w = jax.lax.axis_index("s") * info.num_cores + jax.lax.axis_index("c")
        idxv = (idxv0, idxv1)
        rows = (rows0, rows1)
        sems = (sem0, sem1)

        pltpu.sync_copy(idx_hbm.at[pl.ds(0 * CAP + w * CG, CG)], idxv0)
        h0 = pltpu.async_copy(baseT_hbm.at[idxv0], rows0, sem0)

        def step_t(t, _):
            cur = jax.lax.rem(t, 2)
            for par in range(2):
                @pl.when(cur == par)
                def _(par=par):
                    nxt = 1 - par

                    @pl.when(t + 1 < T)
                    def _():
                        pltpu.sync_copy(
                            idx_hbm.at[pl.ds((t + 1) * CAP + w * CG, CG)],
                            idxv[nxt])
                        pltpu.async_copy(baseT_hbm.at[idxv[nxt]],
                                         rows[nxt], sems[nxt])
                    pltpu.make_async_copy(
                        baseT_hbm.at[idxv[par]], rows[par], sems[par]).wait()
                    pltpu.sync_copy(rows[par],
                                    cb_hbm.at[t, pl.ds(w * CG, CG)])
            return 0

        jax.lax.fori_loop(0, T, step_t, 0)

        @pl.when(w < T)
        def _():
            pltpu.sync_copy(tgt_hbm.at[pl.ds(w * B, B)], tgtv)
            pltpu.async_copy(baseT_hbm.at[tgtv], trows, sem0).wait()
            pltpu.sync_copy(trows, tb_hbm.at[w])

    return k(baseT, idx_flat, tgt_flat)


def _pass_d_body(keys_ref, cbT_ref, idx_ref, tbr_ref, tgt_ref, su_ref,
                 tok_ref, tot_ref, *, V, B, T, CAP):
    t = pl.program_id(0)
    idxr = idx_ref[0]
    b_iota = jax.lax.broadcasted_iota(jnp.uint32, (B, CAP), 0)
    flat = b_iota * jnp.uint32(V) + idxr.astype(jnp.uint32)
    k0 = keys_ref[2 * t].astype(jnp.uint32)
    k1 = keys_ref[2 * t + 1].astype(jnp.uint32)
    o0, o1 = _threefry(k0, k1, jnp.zeros_like(flat), flat)
    g = _gumbel_from_bits(o0 ^ o1)
    s = cbT_ref[0] + g
    m = jnp.max(s, axis=1, keepdims=True)
    lane = jax.lax.broadcasted_iota(jnp.int32, (B, CAP), 1)
    pick = jnp.min(jnp.where(s == m, lane, jnp.int32(2**31 - 1)),
                   axis=1, keepdims=True)
    tok = jnp.sum(jnp.where(lane == pick, jnp.broadcast_to(idxr, (B, CAP)),
                            jnp.int32(0)), axis=1)
    tok_ref[...] = tok.reshape(1, 1, B)

    lane_b = jax.lax.broadcasted_iota(jnp.int32, (B, _ROW), 1)
    row_b = jax.lax.broadcasted_iota(jnp.int32, (B, _ROW), 0)
    tb = jnp.sum(jnp.where(lane_b == row_b, tbr_ref[0], jnp.float32(0.0)),
                 axis=1)
    tgt = tgt_ref[0, 0, :]
    member = jnp.sum((jnp.broadcast_to(idxr, (B, CAP))
                      == tgt[:, None]).astype(jnp.int32), axis=1)
    tmadd = jnp.where(member > 0, jnp.float32(0.0), jnp.float32(-30.0))
    su_unm = su_ref[pl.ds(t, 1), :]
    s_all = su_ref[pl.ds(T, 1), :]
    e30 = jnp.float32(9.357622968840175e-14)
    lse = jnp.log(e30 * s_all + (jnp.float32(1.0) - e30) * su_unm)
    contrib = jnp.sum(tb.reshape(1, B) + tmadd.reshape(1, B) - lse)

    @pl.when(t == 0)
    def _():
        tot_ref[...] = contrib[None, None]

    @pl.when(t > 0)
    def _():
        tot_ref[...] += contrib[None, None]


def _pass_d(keys, cbT, idx3, tbr, tgt3, su, V, B, T, CAP):
    grid_spec = pltpu.PrefetchScalarGridSpec(
        num_scalar_prefetch=1,
        grid=(T,),
        in_specs=[
            pl.BlockSpec((1, B, CAP), lambda t, *_: (t, 0, 0)),
            pl.BlockSpec((1, 1, CAP), lambda t, *_: (t, 0, 0)),
            pl.BlockSpec((1, B, _ROW), lambda t, *_: (t, 0, 0)),
            pl.BlockSpec((1, 1, B), lambda t, *_: (t, 0, 0)),
            pl.BlockSpec((T + 2, B), lambda t, *_: (0, 0)),
        ],
        out_specs=[
            pl.BlockSpec((1, 1, B), lambda t, *_: (t, 0, 0)),
            pl.BlockSpec((1, 1), lambda t, *_: (0, 0)),
        ],
    )
    return pl.pallas_call(
        functools.partial(_pass_d_body, V=V, B=B, T=T, CAP=CAP),
        grid_spec=grid_spec,
        out_shape=[
            jax.ShapeDtypeStruct((T, 1, B), jnp.int32),
            jax.ShapeDtypeStruct((1, 1), jnp.float32),
        ],
    )(keys, cbT, idx3, tbr, tgt3, su)


def kernel(encoderOutput, targets, mask_rand, emb, W_lin, b_lin, Wq, bq,
           Wk, bk):
    V, E = emb.shape
    B = encoderOutput.shape[0]
    T = mask_rand.shape[0]
    NT = pl.cdiv(V + 1, _VT)
    VP = NT * _VT
    CAP = 1280

    ppEnc = emb[0]
    q_in = jnp.concatenate(
        [encoderOutput, jnp.broadcast_to(ppEnc[None, :], (B, E))], axis=1)
    q = q_in @ W_lin.T + b_lin
    qp = q @ Wq.T + bq

    skey = jax.random.key(1)
    kd = jnp.stack([jax.random.key_data(jax.random.fold_in(skey, t))
                    for t in range(T)])
    keys = jax.lax.bitcast_convert_type(kd, jnp.int32).reshape(-1)
    keys = jnp.concatenate([keys, jnp.zeros((4,), jnp.int32)])

    mask_p = jnp.pad(mask_rand, ((0, 0), (0, VP - V)),
                     constant_values=1.0)
    MT = 32
    tgtT = jnp.pad(targets[:, 1:T + 1].T.astype(jnp.int32),
                   ((0, MT - T), (0, 0)))

    baseT, su = _pass_a(emb, mask_p, qp, Wk, bk.reshape(1, E), V, T, VP)
    CAPC = 1280
    mk_flat = _chunkskip_sc(mask_p.reshape(-1), V, T, VP, CAPC)
    idx_flat = _tighten_tc(mk_flat, V, T, CAPC, CAP)
    cbase, tbr = _gather(baseT, idx_flat, tgtT.reshape(-1), T, CAP, B)
    cbT = jnp.swapaxes(cbase, 1, 2)[:, :B, :]
    idx3 = idx_flat.reshape(T, 1, CAP)
    tgt3 = tgtT[:T].reshape(T, 1, B)
    tok3, total = _pass_d(keys, cbT, idx3, tbr, tgt3, su, V, B, T, CAP)
    return tok3.reshape(T, B).T, total.reshape(())

# --- scband reference (transcript-rebuilt; emitter-appended) ---
"""Pipeline reference for scband-program-decoder-8924942041700 (READ-ONLY COPY).

The authoritative reference and input builder live on the scoring server;
editing this copy changes nothing except your own understanding.
"""

import jax, jax.numpy as jnp
import numpy as np

V = 100000   # primitive vocab (scaled to production size)
E = 64       # embedding_size
ENC = 512    # encoderOutputSize
B = 64       # batch of parallel decodes
T = 30       # max_program_length decode steps
START = 0


def setup_inputs(seed: int = 0):
    key = jax.random.key(seed)
    ks = jax.random.split(key, 9)
    encoderOutput = jax.random.normal(ks[0], (B, ENC), dtype=jnp.float32)
    targets = jax.random.randint(ks[1], (B, T + 1), 0, V)
    mask_rand = jax.random.uniform(ks[2], (T, V), dtype=jnp.float32)
    emb = jax.random.normal(ks[3], (V, E), dtype=jnp.float32) * 0.02
    W_lin = jax.random.normal(ks[4], (E, ENC + E), dtype=jnp.float32) * 0.02
    b_lin = jnp.zeros((E,), dtype=jnp.float32)
    Wq = jax.random.normal(ks[5], (E, E), dtype=jnp.float32) * 0.02
    bq = jnp.zeros((E,), dtype=jnp.float32)
    Wk = jax.random.normal(ks[6], (E, E), dtype=jnp.float32) * 0.02
    bk = jnp.zeros((E,), dtype=jnp.float32)
    return {"encoderOutput": encoderOutput, "targets": targets, "mask_rand": mask_rand,
            "emb": emb, "W_lin": W_lin, "b_lin": b_lin,
            "Wq": Wq, "bq": bq, "Wk": Wk, "bk": bk}


def reference(encoderOutput, targets, mask_rand, emb, W_lin, b_lin, Wq, bq, Wk, bk):
    # ppEncoding is the START token embedding (constant across the decode loop,
    # matching the original module where parentTokenEmbedding is never updated).
    ppEnc = emb[START]
    q_in = jnp.concatenate(
        [encoderOutput, jnp.broadcast_to(ppEnc[None, :], (encoderOutput.shape[0], E))], axis=1)
    # linearly_transform_query
    q = q_in @ W_lin.T + b_lin
    # single-head MultiheadAttention: only attn weights are consumed downstream
    qp = q @ Wq.T + bq            # [B, E]
    kp = emb @ Wk.T + bk          # [V, E] (keys == values == embedding table)
    base_logits = (qp @ kp.T) / jnp.sqrt(jnp.asarray(E, jnp.float32))  # [B, V]
    # grammar/type-constraint keys_mask per step (additive; finite -30 instead of -inf
    # so target tokens always have nonzero probability)
    mask_add = jnp.where(mask_rand < 0.01, 0.0, -30.0)  # [T, V]
    skey = jax.random.key(1)
    sampled = []
    total = jnp.asarray(0.0, jnp.float32)
    for t in range(T):
        sl = base_logits + mask_add[t][None, :]                 # masked attn logits [B, V]
        logp = jax.nn.log_softmax(sl, axis=-1)                  # Categorical log-probs
        tgt = targets[:, t + 1]                                 # 'score' mode target token
        total = total + jnp.sum(jnp.take_along_axis(logp, tgt[:, None], axis=1)[:, 0])
        # 'sample' mode: Categorical sample via Gumbel-max
        g = jax.random.gumbel(jax.random.fold_in(skey, t), sl.shape, dtype=jnp.float32)
        sampled.append(jnp.argmax(sl + g, axis=-1))
    programTokenSeq = jnp.stack(sampled, axis=1)  # [B, T]
    return (programTokenSeq, total)

if __name__ == "__main__":
    import jax
    _d = setup_inputs()
    print(jax.jit(kernel)(*tuple(_d.values())))

</pallas_src>

<mosaic_0001>
#map = affine_map<(d0, d1) -> (0, 0)>
#map1 = affine_map<(d0, d1) -> (0)>
#map2 = affine_map<(d0, d1) -> (0, 0, 0)>
module attributes {stable_mosaic.version = 14 : i64} {
  func.func @k(%arg0: i32, %arg1: i32, %arg2: memref<100352x128xf32, #tpu.memory_space<hbm>>, %arg3: memref<38400xi32, #tpu.memory_space<hbm>>, %arg4: memref<2048xi32, #tpu.memory_space<hbm>>, %arg5: memref<30x1280x128xf32, #tpu.memory_space<hbm>>, %arg6: memref<30x64x128xf32, #tpu.memory_space<hbm>>, %arg7: memref<40xi32, #tpu.memory_space<vmem>>, %arg8: memref<40xi32, #tpu.memory_space<vmem>>, %arg9: memref<40x128xf32, #tpu.memory_space<vmem>>, %arg10: memref<40x128xf32, #tpu.memory_space<vmem>>, %arg11: memref<64xi32, #tpu.memory_space<vmem>>, %arg12: memref<64x128xf32, #tpu.memory_space<vmem>>, %arg13: memref<!tpu.dma_semaphore, #tpu.memory_space<semaphore_mem>>, %arg14: memref<!tpu.dma_semaphore, #tpu.memory_space<semaphore_mem>>) attributes {dimension_semantics = [#tpu.dimension_semantics<core_parallel>, #tpu.dimension_semantics<subcore_parallel>], iteration_bounds = array<i64: 2, 16>, scalar_prefetch = 0 : i64, scratch_operands = 8 : i64, tpu.core_type = #tpu.core_type<sc_vector_subcore>, window_params = [{transform_indices = #map}, {transform_indices = #map1}, {transform_indices = #map1}, {transform_indices = #map2}, {transform_indices = #map2}]} {
    %mul3A = arith.constant 2 : i32
    %mul3A_0 = arith.muli %arg1, %mul3A : i32
    %add3A = arith.addi %mul3A_0, %arg0 : i32
    %mul3A_1 = arith.constant 40 : i32
    %mul3A_2 = arith.muli %add3A, %mul3A_1 : i32
    %add3A_3 = arith.constant 0 : i32
    %add3A_4 = arith.addi %add3A_3, %mul3A_2 : i32
    "tpu.region"() ({
      %run_scoped3A = tpu.sem_alloc : memref<!tpu.dma_semaphore, #tpu.memory_space<semaphore_mem>>
      %dma_start3A_15 = tpu.memref_slice %arg3[%add3A_4] : memref<38400xi32, #tpu.memory_space<hbm>> -> memref<40xi32, #tpu.memory_space<hbm>>
      %dma_start3A_16 = tpu.memref_slice %arg3[%add3A_4] : memref<38400xi32, #tpu.memory_space<hbm>> -> memref<40xi32, #tpu.memory_space<hbm>>
      tpu.enqueue_dma source(%dma_start3A_16 : memref<40xi32, #tpu.memory_space<hbm>>) target(%arg7 : memref<40xi32, #tpu.memory_space<vmem>>) target_semaphore(%run_scoped3A : memref<!tpu.dma_semaphore, #tpu.memory_space<semaphore_mem>>)
      %dma_wait3A = tpu.memref_slice %arg3[%add3A_4] : memref<38400xi32, #tpu.memory_space<hbm>> -> memref<40xi32, #tpu.memory_space<hbm>>
      %dma_wait3A_17 = tpu.memref_slice %arg3[%add3A_4] : memref<38400xi32, #tpu.memory_space<hbm>> -> memref<40xi32, #tpu.memory_space<hbm>>
      tpu.wait_dma2 semaphore(%run_scoped3A : memref<!tpu.dma_semaphore, #tpu.memory_space<semaphore_mem>>) src(%dma_wait3A_17 : memref<40xi32, #tpu.memory_space<hbm>>) dst(%arg7 : memref<40xi32, #tpu.memory_space<vmem>>)
      tpu.yield
    }) : () -> ()
    %dma_start3A = arith.constant 0 : i32
    %dma_start3A_5 = arith.constant 0 : i32
    %dma_start3A_6 = tpu.memref_slice %arg2[%dma_start3A, %dma_start3A_5] : memref<100352x128xf32, #tpu.memory_space<hbm>> -> memref<100352x128xf32, #tpu.memory_space<hbm>>
    tpu.enqueue_indirect_dma source(%dma_start3A_6 : memref<100352x128xf32, #tpu.memory_space<hbm>>) target(%arg9 : memref<40x128xf32, #tpu.memory_space<vmem>>) offsets(%arg7 : memref<40xi32, #tpu.memory_space<vmem>>) semaphore(%arg13 : memref<!tpu.dma_semaphore, #tpu.memory_space<semaphore_mem>>)
    %scan3A = arith.constant 0 : i32
    %scan3A_7 = arith.constant 0 : i32
    %scan3A_8 = arith.constant 30 : i32
    %scan3A_9 = arith.addi %scan3A_7, %scan3A_8 : i32
    %scan3A_10 = arith.constant 1 : i32
    %scan3A_11 = scf.for %scan3A_15 = %scan3A_7 to %scan3A_9 step %scan3A_10 iter_args(%scan3A_16 = %scan3A) -> (i32)  : i32 {
      %rem3A = arith.constant 2 : i32
      %rem3A_17 = arith.remsi %scan3A_15, %rem3A : i32
      %eq3A = arith.constant 0 : i32
      %eq3A_18 = arith.cmpi eq, %rem3A_17, %eq3A : i32
      %convert_element_type3A_19 = arith.extui %eq3A_18 : i1 to i32
      %cond3A_20 = arith.constant 0 : i32
      %cond3A_21 = arith.cmpi ne, %convert_element_type3A_19, %cond3A_20 : i32
      scf.if %cond3A_21 {
        %add3A_28 = arith.constant 1 : i32
        %add3A_29 = arith.addi %scan3A_15, %add3A_28 : i32
        %lt3A_30 = arith.constant 30 : i32
        %lt3A_31 = arith.cmpi slt, %add3A_29, %lt3A_30 : i32
        %convert_element_type3A_32 = arith.extui %lt3A_31 : i1 to i32
        %cond3A_33 = arith.constant 0 : i32
        %cond3A_34 = arith.cmpi ne, %convert_element_type3A_32, %cond3A_33 : i32
        scf.if %cond3A_34 {
          %add3A_39 = arith.constant 1 : i32
          %add3A_40 = arith.addi %scan3A_15, %add3A_39 : i32
          %mul3A_41 = arith.constant 1280 : i32
          %mul3A_42 = arith.muli %add3A_40, %mul3A_41 : i32
          %mul3A_43 = arith.constant 40 : i32
          %mul3A_44 = arith.muli %add3A, %mul3A_43 : i32
          %add3A_45 = arith.addi %mul3A_42, %mul3A_44 : i32
          "tpu.region"() ({
            %run_scoped3A = tpu.sem_alloc : memref<!tpu.dma_semaphore, #tpu.memory_space<semaphore_mem>>
            %dma_start3A_49 = tpu.memref_slice %arg3[%add3A_45] : memref<38400xi32, #tpu.memory_space<hbm>> -> memref<40xi32, #tpu.memory_space<hbm>>
            %dma_start3A_50 = tpu.memref_slice %arg3[%add3A_45] : memref<38400xi32, #tpu.memory_space<hbm>> -> memref<40xi32, #tpu.memory_space<hbm>>
            tpu.enqueue_dma source(%dma_start3A_50 : memref<40xi32, #tpu.memory_space<hbm>>) target(%arg8 : memref<40xi32, #tpu.memory_space<vmem>>) target_semaphore(%run_scoped3A : memref<!tpu.dma_semaphore, #tpu.memory_space<semaphore_mem>>)
            %dma_wait3A_51 = tpu.memref_slice %arg3[%add3A_45] : memref<38400xi32, #tpu.memory_space<hbm>> -> memref<40xi32, #tpu.memory_space<hbm>>
            %dma_wait3A_52 = tpu.memref_slice %arg3[%add3A_45] : memref<38400xi32, #tpu.memory_space<hbm>> -> memref<40xi32, #tpu.memory_space<hbm>>
            tpu.wait_dma2 semaphore(%run_scoped3A : memref<!tpu.dma_semaphore, #tpu.memory_space<semaphore_mem>>) src(%dma_wait3A_52 : memref<40xi32, #tpu.memory_space<hbm>>) dst(%arg8 : memref<40xi32, #tpu.memory_space<vmem>>)
            tpu.yield
          }) : () -> ()
          %dma_start3A_46 = arith.constant 0 : i32
          %dma_start3A_47 = arith.constant 0 : i32
          %dma_start3A_48 = tpu.memref_slice %arg2[%dma_start3A_46, %dma_start3A_47] : memref<100352x128xf32, #tpu.memory_space<hbm>> -> memref<100352x128xf32, #tpu.memory_space<hbm>>
          tpu.enqueue_indirect_dma source(%dma_start3A_48 : memref<100352x128xf32, #tpu.memory_space<hbm>>) target(%arg10 : memref<40x128xf32, #tpu.memory_space<vmem>>) offsets(%arg8 : memref<40xi32, #tpu.memory_space<vmem>>) semaphore(%arg14 : memref<!tpu.dma_semaphore, #tpu.memory_space<semaphore_mem>>)
        } else {
        }
        %dma_wait3A = arith.constant 0 : i32
        %dma_wait3A_35 = arith.constant 0 : i32
        %dma_wait3A_36 = tpu.memref_slice %arg2[%dma_wait3A, %dma_wait3A_35] : memref<100352x128xf32, #tpu.memory_space<hbm>> -> memref<100352x128xf32, #tpu.memory_space<hbm>>
        tpu.wait_indirect_dma semaphore(%arg13 : memref<!tpu.dma_semaphore, #tpu.memory_space<semaphore_mem>>) src(%dma_wait3A_36 : memref<100352x128xf32, #tpu.memory_space<hbm>>) dst(%arg9 : memref<40x128xf32, #tpu.memory_space<vmem>>)
        %mul3A_37 = arith.constant 40 : i32
        %mul3A_38 = arith.muli %add3A, %mul3A_37 : i32
        "tpu.region"() ({
          %run_scoped3A = tpu.sem_alloc : memref<!tpu.dma_semaphore, #tpu.memory_space<semaphore_mem>>
          %dma_start3A_39 = arith.constant 0 : i32
          %dma_start3A_40 = tpu.memref_slice %arg5[%scan3A_15, %mul3A_38, %dma_start3A_39] : memref<30x1280x128xf32, #tpu.memory_space<hbm>> -> memref<1x40x128xf32, #tpu.memory_space<hbm>>
          %dma_start3A_41 = tpu.memref_squeeze %dma_start3A_40 : memref<1x40x128xf32, #tpu.memory_space<hbm>> -> memref<40x128xf32, #tpu.memory_space<hbm>>
          %dma_start3A_42 = arith.constant 0 : i32
          %dma_start3A_43 = tpu.memref_slice %arg5[%scan3A_15, %mul3A_38, %dma_start3A_42] : memref<30x1280x128xf32, #tpu.memory_space<hbm>> -> memref<1x40x128xf32, #tpu.memory_space<hbm>>
          %dma_start3A_44 = tpu.memref_squeeze %dma_start3A_43 : memref<1x40x128xf32, #tpu.memory_space<hbm>> -> memref<40x128xf32, #tpu.memory_space<hbm>>
          tpu.enqueue_dma source(%arg9 : memref<40x128xf32, #tpu.memory_space<vmem>>) target(%dma_start3A_44 : memref<40x128xf32, #tpu.memory_space<hbm>>) target_semaphore(%run_scoped3A : memref<!tpu.dma_semaphore, #tpu.memory_space<semaphore_mem>>)
          %dma_wait3A_45 = arith.constant 0 : i32
          %dma_wait3A_46 = tpu.memref_slice %arg5[%scan3A_15, %mul3A_38, %dma_wait3A_45] : memref<30x1280x128xf32, #tpu.memory_space<hbm>> -> memref<1x40x128xf32, #tpu.memory_space<hbm>>
          %dma_wait3A_47 = tpu.memref_squeeze %dma_wait3A_46 : memref<1x40x128xf32, #tpu.memory_space<hbm>> -> memref<40x128xf32, #tpu.memory_space<hbm>>
          %dma_wait3A_48 = arith.constant 0 : i32
          %dma_wait3A_49 = tpu.memref_slice %arg5[%scan3A_15, %mul3A_38, %dma_wait3A_48] : memref<30x1280x128xf32, #tpu.memory_space<hbm>> -> memref<1x40x128xf32, #tpu.memory_space<hbm>>
          %dma_wait3A_50 = tpu.memref_squeeze %dma_wait3A_49 : memref<1x40x128xf32, #tpu.memory_space<hbm>> -> memref<40x128xf32, #tpu.memory_space<hbm>>
          tpu.wait_dma2 semaphore(%run_scoped3A : memref<!tpu.dma_semaphore, #tpu.memory_space<semaphore_mem>>) src(%arg9 : memref<40x128xf32, #tpu.memory_space<vmem>>) dst(%dma_wait3A_50 : memref<40x128xf32, #tpu.memory_space<hbm>>)
          tpu.yield
        }) : () -> ()
      } else {
      }
      %eq3A_22 = arith.constant 1 : i32
      %eq3A_23 = arith.cmpi eq, %rem3A_17, %eq3A_22 : i32
      %convert_element_type3A_24 = arith.extui %eq3A_23 : i1 to i32
      %cond3A_25 = arith.constant 0 : i32
      %cond3A_26 = arith.cmpi ne, %convert_element_type3A_24, %cond3A_25 : i32
      scf.if %cond3A_26 {
        %add3A_28 = arith.constant 1 : i32
        %add3A_29 = arith.addi %scan3A_15, %add3A_28 : i32
        %lt3A_30 = arith.constant 30 : i32
        %lt3A_31 = arith.cmpi slt, %add3A_29, %lt3A_30 : i32
        %convert_element_type3A_32 = arith.extui %lt3A_31 : i1 to i32
        %cond3A_33 = arith.constant 0 : i32
        %cond3A_34 = arith.cmpi ne, %convert_element_type3A_32, %cond3A_33 : i32
        scf.if %cond3A_34 {
          %add3A_39 = arith.constant 1 : i32
          %add3A_40 = arith.addi %scan3A_15, %add3A_39 : i32
          %mul3A_41 = arith.constant 1280 : i32
          %mul3A_42 = arith.muli %add3A_40, %mul3A_41 : i32
          %mul3A_43 = arith.constant 40 : i32
          %mul3A_44 = arith.muli %add3A, %mul3A_43 : i32
          %add3A_45 = arith.addi %mul3A_42, %mul3A_44 : i32
          "tpu.region"() ({
            %run_scoped3A = tpu.sem_alloc : memref<!tpu.dma_semaphore, #tpu.memory_space<semaphore_mem>>
            %dma_start3A_49 = tpu.memref_slice %arg3[%add3A_45] : memref<38400xi32, #tpu.memory_space<hbm>> -> memref<40xi32, #tpu.memory_space<hbm>>
            %dma_start3A_50 = tpu.memref_slice %arg3[%add3A_45] : memref<38400xi32, #tpu.memory_space<hbm>> -> memref<40xi32, #tpu.memory_space<hbm>>
            tpu.enqueue_dma source(%dma_start3A_50 : memref<40xi32, #tpu.memory_space<hbm>>) target(%arg7 : memref<40xi32, #tpu.memory_space<vmem>>) target_semaphore(%run_scoped3A : memref<!tpu.dma_semaphore, #tpu.memory_space<semaphore_mem>>)
            %dma_wait3A_51 = tpu.memref_slice %arg3[%add3A_45] : memref<38400xi32, #tpu.memory_space<hbm>> -> memref<40xi32, #tpu.memory_space<hbm>>
            %dma_wait3A_52 = tpu.memref_slice %arg3[%add3A_45] : memref<38400xi32, #tpu.memory_space<hbm>> -> memref<40xi32, #tpu.memory_space<hbm>>
            tpu.wait_dma2 semaphore(%run_scoped3A : memref<!tpu.dma_semaphore, #tpu.memory_space<semaphore_mem>>) src(%dma_wait3A_52 : memref<40xi32, #tpu.memory_space<hbm>>) dst(%arg7 : memref<40xi32, #tpu.memory_space<vmem>>)
            tpu.yield
          }) : () -> ()
          %dma_start3A_46 = arith.constant 0 : i32
          %dma_start3A_47 = arith.constant 0 : i32
          %dma_start3A_48 = tpu.memref_slice %arg2[%dma_start3A_46, %dma_start3A_47] : memref<100352x128xf32, #tpu.memory_space<hbm>> -> memref<100352x128xf32, #tpu.memory_space<hbm>>
          tpu.enqueue_indirect_dma source(%dma_start3A_48 : memref<100352x128xf32, #tpu.memory_space<hbm>>) target(%arg9 : memref<40x128xf32, #tpu.memory_space<vmem>>) offsets(%arg7 : memref<40xi32, #tpu.memory_space<vmem>>) semaphore(%arg13 : memref<!tpu.dma_semaphore, #tpu.memory_space<semaphore_mem>>)
        } else {
        }
        %dma_wait3A = arith.constant 0 : i32
        %dma_wait3A_35 = arith.constant 0 : i32
        %dma_wait3A_36 = tpu.memref_slice %arg2[%dma_wait3A, %dma_wait3A_35] : memref<100352x128xf32, #tpu.memory_space<hbm>> -> memref<100352x128xf32, #tpu.memory_space<hbm>>
        tpu.wait_indirect_dma semaphore(%arg14 : memref<!tpu.dma_semaphore, #tpu.memory_space<semaphore_mem>>) src(%dma_wait3A_36 : memref<100352x128xf32, #tpu.memory_space<hbm>>) dst(%arg10 : memref<40x128xf32, #tpu.memory_space<vmem>>)
        %mul3A_37 = arith.constant 40 : i32
        %mul3A_38 = arith.muli %add3A, %mul3A_37 : i32
        "tpu.region"() ({
          %run_scoped3A = tpu.sem_alloc : memref<!tpu.dma_semaphore, #tpu.memory_space<semaphore_mem>>
          %dma_start3A_39 = arith.constant 0 : i32
          %dma_start3A_40 = tpu.memref_slice %arg5[%scan3A_15, %mul3A_38, %dma_start3A_39] : memref<30x1280x128xf32, #tpu.memory_space<hbm>> -> memref<1x40x128xf32, #tpu.memory_space<hbm>>
          %dma_start3A_41 = tpu.memref_squeeze %dma_start3A_40 : memref<1x40x128xf32, #tpu.memory_space<hbm>> -> memref<40x128xf32, #tpu.memory_space<hbm>>
          %dma_start3A_42 = arith.constant 0 : i32
          %dma_start3A_43 = tpu.memref_slice %arg5[%scan3A_15, %mul3A_38, %dma_start3A_42] : memref<30x1280x128xf32, #tpu.memory_space<hbm>> -> memref<1x40x128xf32, #tpu.memory_space<hbm>>
          %dma_start3A_44 = tpu.memref_squeeze %dma_start3A_43 : memref<1x40x128xf32, #tpu.memory_space<hbm>> -> memref<40x128xf32, #tpu.memory_space<hbm>>
          tpu.enqueue_dma source(%arg10 : memref<40x128xf32, #tpu.memory_space<vmem>>) target(%dma_start3A_44 : memref<40x128xf32, #tpu.memory_space<hbm>>) target_semaphore(%run_scoped3A : memref<!tpu.dma_semaphore, #tpu.memory_space<semaphore_mem>>)
          %dma_wait3A_45 = arith.constant 0 : i32
          %dma_wait3A_46 = tpu.memref_slice %arg5[%scan3A_15, %mul3A_38, %dma_wait3A_45] : memref<30x1280x128xf32, #tpu.memory_space<hbm>> -> memref<1x40x128xf32, #tpu.memory_space<hbm>>
          %dma_wait3A_47 = tpu.memref_squeeze %dma_wait3A_46 : memref<1x40x128xf32, #tpu.memory_space<hbm>> -> memref<40x128xf32, #tpu.memory_space<hbm>>
          %dma_wait3A_48 = arith.constant 0 : i32
          %dma_wait3A_49 = tpu.memref_slice %arg5[%scan3A_15, %mul3A_38, %dma_wait3A_48] : memref<30x1280x128xf32, #tpu.memory_space<hbm>> -> memref<1x40x128xf32, #tpu.memory_space<hbm>>
          %dma_wait3A_50 = tpu.memref_squeeze %dma_wait3A_49 : memref<1x40x128xf32, #tpu.memory_space<hbm>> -> memref<40x128xf32, #tpu.memory_space<hbm>>
          tpu.wait_dma2 semaphore(%run_scoped3A : memref<!tpu.dma_semaphore, #tpu.memory_space<semaphore_mem>>) src(%arg10 : memref<40x128xf32, #tpu.memory_space<vmem>>) dst(%dma_wait3A_50 : memref<40x128xf32, #tpu.memory_space<hbm>>)
          tpu.yield
        }) : () -> ()
      } else {
      }
      %scan3A_27 = arith.constant 0 : i32
      scf.yield %scan3A_27 : i32
    }
    %scan3A_12 = arith.constant 30 : i32
    %lt3A = arith.constant 30 : i32
    %lt3A_13 = arith.cmpi slt, %add3A, %lt3A : i32
    %convert_element_type3A = arith.extui %lt3A_13 : i1 to i32
    %cond3A = arith.constant 0 : i32
    %cond3A_14 = arith.cmpi ne, %convert_element_type3A, %cond3A : i32
    scf.if %cond3A_14 {
      %mul3A_15 = arith.constant 64 : i32
      %mul3A_16 = arith.muli %add3A, %mul3A_15 : i32
      "tpu.region"() ({
        %run_scoped3A = tpu.sem_alloc : memref<!tpu.dma_semaphore, #tpu.memory_space<semaphore_mem>>
        %dma_start3A_22 = tpu.memref_slice %arg4[%mul3A_16] : memref<2048xi32, #tpu.memory_space<hbm>> -> memref<64xi32, #tpu.memory_space<hbm>>
        %dma_start3A_23 = tpu.memref_slice %arg4[%mul3A_16] : memref<2048xi32, #tpu.memory_space<hbm>> -> memref<64xi32, #tpu.memory_space<hbm>>
        tpu.enqueue_dma source(%dma_start3A_23 : memref<64xi32, #tpu.memory_space<hbm>>) target(%arg11 : memref<64xi32, #tpu.memory_space<vmem>>) target_semaphore(%run_scoped3A : memref<!tpu.dma_semaphore, #tpu.memory_space<semaphore_mem>>)
        %dma_wait3A_24 = tpu.memref_slice %arg4[%mul3A_16] : memref<2048xi32, #tpu.memory_space<hbm>> -> memref<64xi32, #tpu.memory_space<hbm>>
        %dma_wait3A_25 = tpu.memref_slice %arg4[%mul3A_16] : memref<2048xi32, #tpu.memory_space<hbm>> -> memref<64xi32, #tpu.memory_space<hbm>>
        tpu.wait_dma2 semaphore(%run_scoped3A : memref<!tpu.dma_semaphore, #tpu.memory_space<semaphore_mem>>) src(%dma_wait3A_25 : memref<64xi32, #tpu.memory_space<hbm>>) dst(%arg11 : memref<64xi32, #tpu.memory_space<vmem>>)
        tpu.yield
      }) : () -> ()
      %dma_start3A_17 = arith.constant 0 : i32
      %dma_start3A_18 = arith.constant 0 : i32
      %dma_start3A_19 = tpu.memref_slice %arg2[%dma_start3A_17, %dma_start3A_18] : memref<100352x128xf32, #tpu.memory_space<hbm>> -> memref<100352x128xf32, #tpu.memory_space<hbm>>
      tpu.enqueue_indirect_dma source(%dma_start3A_19 : memref<100352x128xf32, #tpu.memory_space<hbm>>) target(%arg12 : memref<64x128xf32, #tpu.memory_space<vmem>>) offsets(%arg11 : memref<64xi32, #tpu.memory_space<vmem>>) semaphore(%arg13 : memref<!tpu.dma_semaphore, #tpu.memory_space<semaphore_mem>>)
      %dma_wait3A = arith.constant 0 : i32
      %dma_wait3A_20 = arith.constant 0 : i32
      %dma_wait3A_21 = tpu.memref_slice %arg2[%dma_wait3A, %dma_wait3A_20] : memref<100352x128xf32, #tpu.memory_space<hbm>> -> memref<100352x128xf32, #tpu.memory_space<hbm>>
      tpu.wait_indirect_dma semaphore(%arg13 : memref<!tpu.dma_semaphore, #tpu.memory_space<semaphore_mem>>) src(%dma_wait3A_21 : memref<100352x128xf32, #tpu.memory_space<hbm>>) dst(%arg12 : memref<64x128xf32, #tpu.memory_space<vmem>>)
      "tpu.region"() ({
        %run_scoped3A = tpu.sem_alloc : memref<!tpu.dma_semaphore, #tpu.memory_space<semaphore_mem>>
        %dma_start3A_22 = arith.constant 0 : i32
        %dma_start3A_23 = arith.constant 0 : i32
        %dma_start3A_24 = tpu.memref_slice %arg6[%add3A, %dma_start3A_22, %dma_start3A_23] : memref<30x64x128xf32, #tpu.memory_space<hbm>> -> memref<1x64x128xf32, #tpu.memory_space<hbm>>
        %dma_start3A_25 = tpu.memref_squeeze %dma_start3A_24 : memref<1x64x128xf32, #tpu.memory_space<hbm>> -> memref<64x128xf32, #tpu.memory_space<hbm>>
        %dma_start3A_26 = arith.constant 0 : i32
        %dma_start3A_27 = arith.constant 0 : i32
        %dma_start3A_28 = tpu.memref_slice %arg6[%add3A, %dma_start3A_26, %dma_start3A_27] : memref<30x64x128xf32, #tpu.memory_space<hbm>> -> memref<1x64x128xf32, #tpu.memory_space<hbm>>
        %dma_start3A_29 = tpu.memref_squeeze %dma_start3A_28 : memref<1x64x128xf32, #tpu.memory_space<hbm>> -> memref<64x128xf32, #tpu.memory_space<hbm>>
        tpu.enqueue_dma source(%arg12 : memref<64x128xf32, #tpu.memory_space<vmem>>) target(%dma_start3A_29 : memref<64x128xf32, #tpu.memory_space<hbm>>) target_semaphore(%run_scoped3A : memref<!tpu.dma_semaphore, #tpu.memory_space<semaphore_mem>>)
        %dma_wait3A_30 = arith.constant 0 : i32
        %dma_wait3A_31 = arith.constant 0 : i32
        %dma_wait3A_32 = tpu.memref_slice %arg6[%add3A, %dma_wait3A_30, %dma_wait3A_31] : memref<30x64x128xf32, #tpu.memory_space<hbm>> -> memref<1x64x128xf32, #tpu.memory_space<hbm>>
        %dma_wait3A_33 = tpu.memref_squeeze %dma_wait3A_32 : memref<1x64x128xf32, #tpu.memory_space<hbm>> -> memref<64x128xf32, #tpu.memory_space<hbm>>
        %dma_wait3A_34 = arith.constant 0 : i32
        %dma_wait3A_35 = arith.constant 0 : i32
        %dma_wait3A_36 = tpu.memref_slice %arg6[%add3A, %dma_wait3A_34, %dma_wait3A_35] : memref<30x64x128xf32, #tpu.memory_space<hbm>> -> memref<1x64x128xf32, #tpu.memory_space<hbm>>
        %dma_wait3A_37 = tpu.memref_squeeze %dma_wait3A_36 : memref<1x64x128xf32, #tpu.memory_space<hbm>> -> memref<64x128xf32, #tpu.memory_space<hbm>>
        tpu.wait_dma2 semaphore(%run_scoped3A : memref<!tpu.dma_semaphore, #tpu.memory_space<semaphore_mem>>) src(%arg12 : memref<64x128xf32, #tpu.memory_space<vmem>>) dst(%dma_wait3A_37 : memref<64x128xf32, #tpu.memory_space<hbm>>)
        tpu.yield
      }) : () -> ()
    } else {
    }
    return
  }
}

#map = affine_map<(d0, d1) -> (0)>
module attributes {stable_mosaic.version = 14 : i64} {
  func.func @k(%arg0: i32, %arg1: i32, %arg2: memref<3010560xf32, #tpu.memory_space<hbm>>, %arg3: memref<1228800xi32, #tpu.memory_space<hbm>>, %arg4: memref<12544xf32, #tpu.memory_space<vmem>>, %arg5: memref<40960xi32, #tpu.memory_space<vmem>>, %arg6: memref<32xi32, #tpu.memory_space<vmem>>) attributes {dimension_semantics = [#tpu.dimension_semantics<core_parallel>, #tpu.dimension_semantics<subcore_parallel>], iteration_bounds = array<i64: 2, 16>, scalar_prefetch = 0 : i64, scratch_operands = 3 : i64, tpu.core_type = #tpu.core_type<sc_vector_subcore>, window_params = [{transform_indices = #map}, {transform_indices = #map}]} {
    %mul3A = arith.constant 2 : i32
    %mul3A_0 = arith.muli %arg1, %mul3A : i32
    %add3A = arith.addi %mul3A_0, %arg0 : i32
    %iota3A = tpu.iota {dimensions = array<i32: 0>} : vector<16xi32>
    %broadcast_in_dim3A = arith.constant 0 : i32
    %broadcast_in_dim3A_1 = vector.broadcast %broadcast_in_dim3A : i32 to vector<16xi32>
    %lt3A = arith.constant 30 : i32
    %lt3A_2 = arith.cmpi slt, %add3A, %lt3A : i32
    %convert_element_type3A = arith.extui %lt3A_2 : i1 to i32
    %cond3A = arith.constant 0 : i32
    %cond3A_3 = arith.cmpi ne, %convert_element_type3A, %cond3A : i32
    scf.if %cond3A_3 {
      %scan3A = arith.constant 0 : i32
      %scan3A_4 = arith.constant 0 : i32
      %scan3A_5 = arith.constant 2560 : i32
      %scan3A_6 = arith.addi %scan3A_4, %scan3A_5 : i32
      %scan3A_7 = arith.constant 1 : i32
      %scan3A_8 = scf.for %scan3A_24 = %scan3A_4 to %scan3A_6 step %scan3A_7 iter_args(%scan3A_25 = %scan3A) -> (i32)  : i32 {
        %broadcast_in_dim3A_26 = arith.constant 100000 : i32
        %broadcast_in_dim3A_27 = vector.broadcast %broadcast_in_dim3A_26 : i32 to vector<16xi32>
        %mul3A_28 = arith.constant 16 : i32
        %mul3A_29 = arith.muli %scan3A_24, %mul3A_28 : i32
        %swap3A = arith.index_cast %mul3A_29 : i32 to index
        %swap3A_30 = tpu.vector_load %arg5[%swap3A] {strides = array<i32>} : memref<40960xi32, #tpu.memory_space<vmem>>, vector<16xi32>,
        %swap3A_31 = vector.shape_cast %swap3A_30 : vector<16xi32> to vector<16xi32>
        %swap3A_32 = vector.shape_cast %broadcast_in_dim3A_27 : vector<16xi32> to vector<16xi32>
        tpu.vector_store %arg5[%swap3A], %swap3A_32 {strides = array<i32>} : memref<40960xi32, #tpu.memory_space<vmem>>, vector<16xi32>,
        %scan3A_33 = arith.constant 0 : i32
        scf.yield %scan3A_33 : i32
      }
      %scan3A_9 = arith.constant 2560 : i32
      %broadcast_in_dim3A_10 = arith.constant 0.00999999977 : f32
      %broadcast_in_dim3A_11 = vector.broadcast %broadcast_in_dim3A_10 : f32 to vector<16xf32>
      %bitcast_convert_type3A = tpu.bitcast %broadcast_in_dim3A_11 : vector<16xf32> -> vector<16xi32>
      %scan3A_12 = arith.constant 0 : i32
      %scan3A_13 = arith.constant 0 : i32
      %scan3A_14 = arith.constant 0 : i32
      %scan3A_15 = arith.constant 8 : i32
      %scan3A_16 = arith.addi %scan3A_14, %scan3A_15 : i32
      %scan3A_17 = arith.constant 1 : i32
      %scan3A_18:2 = scf.for %scan3A_24 = %scan3A_14 to %scan3A_16 step %scan3A_17 iter_args(%scan3A_25 = %scan3A_12, %scan3A_26 = %scan3A_13) -> (i32, i32)  : i32 {
        %mul3A_27 = arith.constant 100352 : i32
        %mul3A_28 = arith.muli %add3A, %mul3A_27 : i32
        %mul3A_29 = arith.constant 12544 : i32
        %mul3A_30 = arith.muli %scan3A_24, %mul3A_29 : i32
        %add3A_31 = arith.addi %mul3A_28, %mul3A_30 : i32
        "tpu.region"() ({
          %run_scoped3A = tpu.sem_alloc : memref<!tpu.dma_semaphore, #tpu.memory_space<semaphore_mem>>
          %dma_start3A = tpu.memref_slice %arg2[%add3A_31] : memref<3010560xf32, #tpu.memory_space<hbm>> -> memref<12544xf32, #tpu.memory_space<hbm>>
          %dma_start3A_38 = tpu.memref_slice %arg2[%add3A_31] : memref<3010560xf32, #tpu.memory_space<hbm>> -> memref<12544xf32, #tpu.memory_space<hbm>>
          tpu.enqueue_dma source(%dma_start3A_38 : memref<12544xf32, #tpu.memory_space<hbm>>) target(%arg4 : memref<12544xf32, #tpu.memory_space<vmem>>) target_semaphore(%run_scoped3A : memref<!tpu.dma_semaphore, #tpu.memory_space<semaphore_mem>>)
          %dma_wait3A = tpu.memref_slice %arg2[%add3A_31] : memref<3010560xf32, #tpu.memory_space<hbm>> -> memref<12544xf32, #tpu.memory_space<hbm>>
          %dma_wait3A_39 = tpu.memref_slice %arg2[%add3A_31] : memref<3010560xf32, #tpu.memory_space<hbm>> -> memref<12544xf32, #tpu.memory_space<hbm>>
          tpu.wait_dma2 semaphore(%run_scoped3A : memref<!tpu.dma_semaphore, #tpu.memory_space<semaphore_mem>>) src(%dma_wait3A_39 : memref<12544xf32, #tpu.memory_space<hbm>>) dst(%arg4 : memref<12544xf32, #tpu.memory_space<vmem>>)
          tpu.yield
        }) : () -> ()
        %scan3A_32 = arith.constant 0 : i32
        %scan3A_33 = arith.constant 784 : i32
        %scan3A_34 = arith.addi %scan3A_32, %scan3A_33 : i32
        %scan3A_35 = arith.constant 1 : i32
        %scan3A_36:2 = scf.for %scan3A_38 = %scan3A_32 to %scan3A_34 step %scan3A_35 iter_args(%scan3A_39 = %scan3A_25, %scan3A_40 = %scan3A_26) -> (i32, i32)  : i32 {
          %mul3A_41 = arith.constant 16 : i32
          %mul3A_42 = arith.muli %scan3A_38, %mul3A_41 : i32
          %get3A = arith.index_cast %mul3A_42 : i32 to index
          %get3A_43 = tpu.vector_load %arg4[%get3A] {strides = array<i32>} : memref<12544xf32, #tpu.memory_space<vmem>>, vector<16xf32>,
          %get3A_44 = vector.shape_cast %get3A_43 : vector<16xf32> to vector<16xf32>
          %bitcast_convert_type3A_45 = tpu.bitcast %get3A_44 : vector<16xf32> -> vector<16xi32>
          %sub3A = arith.subi %bitcast_convert_type3A, %bitcast_convert_type3A_45 : vector<16xi32>
          %sub3A_46 = arith.constant 1 : i32
          %sub3A_47 = vector.broadcast %sub3A_46 : i32 to vector<16xi32>
          %sub3A_48 = arith.subi %sub3A, %sub3A_47 : vector<16xi32>
          %shift_right_arithmetic3A = arith.constant 31 : i32
          %shift_right_arithmetic3A_49 = vector.broadcast %shift_right_arithmetic3A : i32 to vector<16xi32>
          %shift_right_arithmetic3A_50 = arith.shrsi %sub3A_48, %shift_right_arithmetic3A_49 : vector<16xi32>
          %add3A_51 = arith.constant 1 : i32
          %add3A_52 = vector.broadcast %add3A_51 : i32 to vector<16xi32>
          %add3A_53 = arith.addi %shift_right_arithmetic3A_50, %add3A_52 : vector<16xi32>
          %mul3A_54 = arith.constant 12544 : i32
          %mul3A_55 = arith.muli %scan3A_24, %mul3A_54 : i32
          %mul3A_56 = arith.constant 16 : i32
          %mul3A_57 = arith.muli %scan3A_38, %mul3A_56 : i32
          %add3A_58 = arith.addi %mul3A_55, %mul3A_57 : i32
          %add3A_59 = vector.broadcast %add3A_58 : i32 to vector<16xi32>
          %add3A_60 = arith.addi %add3A_59, %iota3A : vector<16xi32>
          %mul3A_61 = arith.muli %add3A_60, %add3A_53 : vector<16xi32>
          %sub3A_62 = arith.constant 1 : i32
          %sub3A_63 = vector.broadcast %sub3A_62 : i32 to vector<16xi32>
          %sub3A_64 = arith.subi %sub3A_63, %add3A_53 : vector<16xi32>
          %mul3A_65 = arith.constant 100000 : i32
          %mul3A_66 = vector.broadcast %mul3A_65 : i32 to vector<16xi32>
          %mul3A_67 = arith.muli %mul3A_66, %sub3A_64 : vector<16xi32>
          %add3A_68 = arith.addi %mul3A_61, %mul3A_67 : vector<16xi32>
          %swap3A = arith.constant 0 : index
          %swap3A_69 = tpu.vector_load %arg6[%swap3A] {strides = array<i32>} : memref<32xi32, #tpu.memory_space<vmem>>, vector<16xi32>,
          %swap3A_70 = vector.shape_cast %swap3A_69 : vector<16xi32> to vector<16xi32>
          %swap3A_71 = vector.shape_cast %broadcast_in_dim3A_1 : vector<16xi32> to vector<16xi32>
          tpu.vector_store %arg6[%swap3A], %swap3A_71 {strides = array<i32>} : memref<32xi32, #tpu.memory_space<vmem>>, vector<16xi32>,
          %swap3A_72 = arith.constant 16 : index
          %swap3A_73 = tpu.vector_load %arg6[%swap3A_72] {strides = array<i32>} : memref<32xi32, #tpu.memory_space<vmem>>, vector<16xi32>,
          %swap3A_74 = vector.shape_cast %swap3A_73 : vector<16xi32> to vector<16xi32>
          %swap3A_75 = vector.shape_cast %add3A_53 : vector<16xi32> to vector<16xi32>
          tpu.vector_store %arg6[%swap3A_72], %swap3A_75 {strides = array<i32>} : memref<32xi32, #tpu.memory_space<vmem>>, vector<16xi32>,
          %get3A_76 = arith.constant 15 : index
          %get3A_77 = tpu.vector_load %arg6[%get3A_76] {strides = array<i32>} : memref<32xi32, #tpu.memory_space<vmem>>, vector<16xi32>,
          %get3A_78 = vector.shape_cast %get3A_77 : vector<16xi32> to vector<16xi32>
          %add3A_79 = arith.addi %add3A_53, %get3A_78 : vector<16xi32>
          %swap3A_80 = arith.constant 0 : index
          %swap3A_81 = tpu.vector_load %arg6[%swap3A_80] {strides = array<i32>} : memref<32xi32, #tpu.memory_space<vmem>>, vector<16xi32>,
          %swap3A_82 = vector.shape_cast %swap3A_81 : vector<16xi32> to vector<16xi32>
          %swap3A_83 = vector.shape_cast %broadcast_in_dim3A_1 : vector<16xi32> to vector<16xi32>
          tpu.vector_store %arg6[%swap3A_80], %swap3A_83 {strides = array<i32>} : memref<32xi32, #tpu.memory_space<vmem>>, vector<16xi32>,
          %swap3A_84 = arith.constant 16 : index
          %swap3A_85 = tpu.vector_load %arg6[%swap3A_84] {strides = array<i32>} : memref<32xi32, #tpu.memory_space<vmem>>, vector<16xi32>,
          %swap3A_86 = vector.shape_cast %swap3A_85 : vector<16xi32> to vector<16xi32>
          %swap3A_87 = vector.shape_cast %add3A_79 : vector<16xi32> to vector<16xi32>
          tpu.vector_store %arg6[%swap3A_84], %swap3A_87 {strides = array<i32>} : memref<32xi32, #tpu.memory_space<vmem>>, vector<16xi32>,
          %get3A_88 = arith.constant 14 : index
          %get3A_89 = tpu.vector_load %arg6[%get3A_88] {strides = array<i32>} : memref<32xi32, #tpu.memory_space<vmem>>, vector<16xi32>,
          %get3A_90 = vector.shape_cast %get3A_89 : vector<16xi32> to vector<16xi32>
          %add3A_91 = arith.addi %add3A_79, %get3A_90 : vector<16xi32>
          %swap3A_92 = arith.constant 0 : index
          %swap3A_93 = tpu.vector_load %arg6[%swap3A_92] {strides = array<i32>} : memref<32xi32, #tpu.memory_space<vmem>>, vector<16xi32>,
          %swap3A_94 = vector.shape_cast %swap3A_93 : vector<16xi32> to vector<16xi32>
          %swap3A_95 = vector.shape_cast %broadcast_in_dim3A_1 : vector<16xi32> to vector<16xi32>
          tpu.vector_store %arg6[%swap3A_92], %swap3A_95 {strides = array<i32>} : memref<32xi32, #tpu.memory_space<vmem>>, vector<16xi32>,
          %swap3A_96 = arith.constant 16 : index
          %swap3A_97 = tpu.vector_load %arg6[%swap3A_96] {strides = array<i32>} : memref<32xi32, #tpu.memory_space<vmem>>, vector<16xi32>,
          %swap3A_98 = vector.shape_cast %swap3A_97 : vector<16xi32> to vector<16xi32>
          %swap3A_99 = vector.shape_cast %add3A_91 : vector<16xi32> to vector<16xi32>
          tpu.vector_store %arg6[%swap3A_96], %swap3A_99 {strides = array<i32>} : memref<32xi32, #tpu.memory_space<vmem>>, vector<16xi32>,
          %get3A_100 = arith.constant 12 : index
          %get3A_101 = tpu.vector_load %arg6[%get3A_100] {strides = array<i32>} : memref<32xi32, #tpu.memory_space<vmem>>, vector<16xi32>,
          %get3A_102 = vector.shape_cast %get3A_101 : vector<16xi32> to vector<16xi32>
          %add3A_103 = arith.addi %add3A_91, %get3A_102 : vector<16xi32>
          %swap3A_104 = arith.constant 0 : index
          %swap3A_105 = tpu.vector_load %arg6[%swap3A_104] {strides = array<i32>} : memref<32xi32, #tpu.memory_space<vmem>>, vector<16xi32>,
          %swap3A_106 = vector.shape_cast %swap3A_105 : vector<16xi32> to vector<16xi32>
          %swap3A_107 = vector.shape_cast %broadcast_in_dim3A_1 : vector<16xi32> to vector<16xi32>
          tpu.vector_store %arg6[%swap3A_104], %swap3A_107 {strides = array<i32>} : memref<32xi32, #tpu.memory_space<vmem>>, vector<16xi32>,
          %swap3A_108 = arith.constant 16 : index
          %swap3A_109 = tpu.vector_load %arg6[%swap3A_108] {strides = array<i32>} : memref<32xi32, #tpu.memory_space<vmem>>, vector<16xi32>,
          %swap3A_110 = vector.shape_cast %swap3A_109 : vector<16xi32> to vector<16xi32>
          %swap3A_111 = vector.shape_cast %add3A_103 : vector<16xi32> to vector<16xi32>
          tpu.vector_store %arg6[%swap3A_108], %swap3A_111 {strides = array<i32>} : memref<32xi32, #tpu.memory_space<vmem>>, vector<16xi32>,
          %get3A_112 = arith.constant 8 : index
          %get3A_113 = tpu.vector_load %arg6[%get3A_112] {strides = array<i32>} : memref<32xi32, #tpu.memory_space<vmem>>, vector<16xi32>,
          %get3A_114 = vector.shape_cast %get3A_113 : vector<16xi32> to vector<16xi32>
          %add3A_115 = arith.addi %add3A_103, %get3A_114 : vector<16xi32>
          %slice3A = vector.extract_strided_slice %add3A_115 {offsets = [15], sizes = [1], strides = [1]} : vector<16xi32> to vector<1xi32>
          %squeeze3A = vector.extract %slice3A[0] : i32 from vector<1xi32>
          %min3A = arith.constant 1279 : i32
          %min3A_116 = arith.minsi %scan3A_39, %min3A : i32
          %mul3A_117 = arith.constant 32 : i32
          %mul3A_118 = arith.muli %min3A_116, %mul3A_117 : i32
          %swap3A_119 = arith.index_cast %mul3A_118 : i32 to index
          %swap3A_120 = tpu.vector_load %arg5[%swap3A_119] {strides = array<i32>} : memref<40960xi32, #tpu.memory_space<vmem>>, vector<16xi32>,
          %swap3A_121 = vector.shape_cast %swap3A_120 : vector<16xi32> to vector<16xi32>
          %swap3A_122 = vector.shape_cast %add3A_68 : vector<16xi32> to vector<16xi32>
          tpu.vector_store %arg5[%swap3A_119], %swap3A_122 {strides = array<i32>} : memref<40960xi32, #tpu.memory_space<vmem>>, vector<16xi32>,
          %broadcast_in_dim3A_123 = arith.constant 1 : i32
          %broadcast_in_dim3A_124 = vector.broadcast %broadcast_in_dim3A_123 : i32 to vector<16xi32>
          %mul3A_125 = vector.broadcast %scan3A_40 : i32 to vector<16xi32>
          %mul3A_126 = arith.muli %broadcast_in_dim3A_124, %mul3A_125 : vector<16xi32>
          %mul3A_127 = arith.constant 32 : i32
          %mul3A_128 = arith.muli %min3A_116, %mul3A_127 : i32
          %add3A_129 = arith.constant 16 : i32
          %add3A_130 = arith.addi %mul3A_128, %add3A_129 : i32
          %swap3A_131 = arith.index_cast %add3A_130 : i32 to index
          %swap3A_132 = tpu.vector_load %arg5[%swap3A_131] {strides = array<i32>} : memref<40960xi32, #tpu.memory_space<vmem>>, vector<16xi32>,
          %swap3A_133 = vector.shape_cast %swap3A_132 : vector<16xi32> to vector<16xi32>
          %swap3A_134 = vector.shape_cast %mul3A_126 : vector<16xi32> to vector<16xi32>
          tpu.vector_store %arg5[%swap3A_131], %swap3A_134 {strides = array<i32>} : memref<40960xi32, #tpu.memory_space<vmem>>, vector<16xi32>,
          %min3A_135 = arith.constant 1 : i32
          %min3A_136 = arith.minsi %squeeze3A, %min3A_135 : i32
          %add3A_137 = arith.addi %scan3A_39, %min3A_136 : i32
          %add3A_138 = arith.addi %scan3A_40, %squeeze3A : i32
          scf.yield %add3A_137, %add3A_138 : i32, i32
        }
        %scan3A_37 = arith.constant 784 : i32
        scf.yield %scan3A_36#0, %scan3A_36#1 : i32, i32
      }
      %scan3A_19 = arith.constant 8 : i32
      %mul3A_20 = arith.constant 1280 : i32
      %mul3A_21 = arith.muli %add3A, %mul3A_20 : i32
      %mul3A_22 = arith.constant 32 : i32
      %mul3A_23 = arith.muli %mul3A_21, %mul3A_22 : i32
      "tpu.region"() ({
        %run_scoped3A = tpu.sem_alloc : memref<!tpu.dma_semaphore, #tpu.memory_space<semaphore_mem>>
        %dma_start3A = tpu.memref_slice %arg3[%mul3A_23] : memref<1228800xi32, #tpu.memory_space<hbm>> -> memref<40960xi32, #tpu.memory_space<hbm>>
        %dma_start3A_24 = tpu.memref_slice %arg3[%mul3A_23] : memref<1228800xi32, #tpu.memory_space<hbm>> -> memref<40960xi32, #tpu.memory_space<hbm>>
        tpu.enqueue_dma source(%arg5 : memref<40960xi32, #tpu.memory_space<vmem>>) target(%dma_start3A_24 : memref<40960xi32, #tpu.memory_space<hbm>>) target_semaphore(%run_scoped3A : memref<!tpu.dma_semaphore, #tpu.memory_space<semaphore_mem>>)
        %dma_wait3A = tpu.memref_slice %arg3[%mul3A_23] : memref<1228800xi32, #tpu.memory_space<hbm>> -> memref<40960xi32, #tpu.memory_space<hbm>>
        %dma_wait3A_25 = tpu.memref_slice %arg3[%mul3A_23] : memref<1228800xi32, #tpu.memory_space<hbm>> -> memref<40960xi32, #tpu.memory_space<hbm>>
        tpu.wait_dma2 semaphore(%run_scoped3A : memref<!tpu.dma_semaphore, #tpu.memory_space<semaphore_mem>>) src(%arg5 : memref<40960xi32, #tpu.memory_space<vmem>>) dst(%dma_wait3A_25 : memref<40960xi32, #tpu.memory_space<hbm>>)
        tpu.yield
      }) : () -> ()
    } else {
    }
    return
  }
}

module attributes {stable_mosaic.version = 14 : i64} {
  func.func @_pass_a_body(%arg0: i32, %arg1: memref<2048x64xf32, #tpu.memory_space<vmem>>, %arg2: memref<30x2048xf32, #tpu.memory_space<vmem>>, %arg3: memref<64x64xf32, #tpu.memory_space<vmem>>, %arg4: memref<64x64xf32, #tpu.memory_space<vmem>>, %arg5: memref<1x64xf32, #tpu.memory_space<vmem>>, %arg6: memref<2048x128xf32, #tpu.memory_space<vmem>>, %arg7: memref<32x64xf32, #tpu.memory_space<vmem>>) attributes {dimension_semantics = [#tpu.dimension_semantics<arbitrary>], iteration_bounds = array<i64: 49>, scalar_prefetch = 0 : i64, scratch_operands = 0 : i64, tpu.core_type = #tpu.core_type<tc>, window_params = [{transform_indices = @transform_0, window_bounds = array<i64: 2048, 64>}, {transform_indices = @transform_1, window_bounds = array<i64: 30, 2048>}, {pipeline_mode = #tpu.pipeline_mode<synchronous>, transform_indices = @transform_2, window_bounds = array<i64: 64, 64>}, {pipeline_mode = #tpu.pipeline_mode<synchronous>, transform_indices = @transform_3, window_bounds = array<i64: 64, 64>}, {pipeline_mode = #tpu.pipeline_mode<synchronous>, transform_indices = @transform_4, window_bounds = array<i64: 1, 64>}, {transform_indices = @transform_5, window_bounds = array<i64: 2048, 128>}, {pipeline_mode = #tpu.pipeline_mode<synchronous>, transform_indices = @transform_6, window_bounds = array<i64: 32, 64>}]} {
    %get3A = arith.constant 0 : index
    %get3A_0 = arith.constant 0 : index
    %get3A_1 = vector.load %arg1[%get3A, %get3A_0] : memref<2048x64xf32, #tpu.memory_space<vmem>>, vector<2048x64xf32>
    %get3A_2 = arith.constant 0 : index
    %get3A_3 = arith.constant 0 : index
    %get3A_4 = vector.load %arg4[%get3A_2, %get3A_3] : memref<64x64xf32, #tpu.memory_space<vmem>>, vector<64x64xf32>
    %transpose3A = tpu.transpose %get3A_4, [1, 0] : vector<64x64xf32> -> vector<64x64xf32>
    %dot_general3A = arith.constant dense<0.000000e+00> : vector<2048x64xf32>
    %dot_general3A_5 = tpu.matmul %get3A_1, %transpose3A, %dot_general3A {dimension_numbers = #tpu.dot_dimension_numbers<[1], [0], [0], [1], [0, 0, 1, 1], [], []>, transpose_lhs_hint = false} : vector<2048x64xf32>, vector<64x64xf32>, vector<2048x64xf32> -> vector<2048x64xf32>
    %get3A_6 = arith.constant 0 : index
    %get3A_7 = arith.constant 0 : index
    %get3A_8 = vector.load %arg5[%get3A_6, %get3A_7] : memref<1x64xf32, #tpu.memory_space<vmem>>, vector<1x64xf32>
    %add3A = vector.broadcast %get3A_8 : vector<1x64xf32> to vector<2048x64xf32>
    %add3A_9 = arith.addf %dot_general3A_5, %add3A : vector<2048x64xf32>
    %get3A_10 = arith.constant 0 : index
    %get3A_11 = arith.constant 0 : index
    %get3A_12 = vector.load %arg3[%get3A_10, %get3A_11] : memref<64x64xf32, #tpu.memory_space<vmem>>, vector<64x64xf32>
    %transpose3A_13 = tpu.transpose %get3A_12, [1, 0] : vector<64x64xf32> -> vector<64x64xf32>
    %dot_general3A_14 = arith.constant dense<0.000000e+00> : vector<2048x64xf32>
    %dot_general3A_15 = tpu.matmul %add3A_9, %transpose3A_13, %dot_general3A_14 {dimension_numbers = #tpu.dot_dimension_numbers<[1], [0], [0], [1], [0, 0, 1, 1], [], []>, transpose_lhs_hint = false} : vector<2048x64xf32>, vector<64x64xf32>, vector<2048x64xf32> -> vector<2048x64xf32>
    %sqrt3A = arith.constant 6.400000e+01 : f32
    %sqrt3A_16 = math.sqrt %sqrt3A : f32
    %div3A = vector.broadcast %sqrt3A_16 : f32 to vector<2048x64xf32>
    %div3A_17 = arith.divf %dot_general3A_15, %div3A : vector<2048x64xf32>
    %iota3A = tpu.iota {dimensions = array<i32: 0>} : vector<2048x64xi32>
    %mul3A = arith.constant 2048 : i32
    %mul3A_18 = arith.muli %arg0, %mul3A : i32
    %add3A_19 = vector.broadcast %mul3A_18 : i32 to vector<2048x64xi32>
    %add3A_20 = arith.addi %iota3A, %add3A_19 : vector<2048x64xi32>
    %lt3A = arith.constant 100000 : i32
    %lt3A_21 = vector.broadcast %lt3A : i32 to vector<2048x64xi32>
    %lt3A_22 = arith.cmpi slt, %add3A_20, %lt3A_21 : vector<2048x64xi32>
    %jit3A = arith.constant -1.000000e+30 : f32
    %broadcast_in_dim3A = vector.broadcast %jit3A : f32 to vector<2048x64xf32>
    %select_n3A = arith.select %lt3A_22, %div3A_17, %broadcast_in_dim3A : vector<2048x64xi1>, vector<2048x64xf32>
    %broadcast_in_dim3A_23 = arith.constant 0.000000e+00 : f32
    %broadcast_in_dim3A_24 = vector.broadcast %broadcast_in_dim3A_23 : f32 to vector<2048x64xf32>
    %concatenate3A = tpu.concatenate %select_n3A, %broadcast_in_dim3A_24 in 1 : vector<2048x64xf32>, vector<2048x64xf32> -> vector<2048x128xf32>
    %swap3A = arith.constant 0 : index
    %swap3A_25 = arith.constant 0 : index
    %swap3A_26 = vector.load %arg6[%swap3A, %swap3A_25] : memref<2048x128xf32, #tpu.memory_space<vmem>>, vector<2048x128xf32>
    tpu.vector_store %arg6[%swap3A, %swap3A_25], %concatenate3A {strides = array<i32>} : memref<2048x128xf32, #tpu.memory_space<vmem>>, vector<2048x128xf32>,
    %exp3A = math.exp %select_n3A : vector<2048x64xf32>
    %get3A_27 = arith.constant 0 : index
    %get3A_28 = arith.constant 0 : index
    %get3A_29 = vector.load %arg2[%get3A_27, %get3A_28] : memref<30x2048xf32, #tpu.memory_space<vmem>>, vector<30x2048xf32>
    %lt3A_30 = arith.constant 0.00999999977 : f32
    %lt3A_31 = vector.broadcast %lt3A_30 : f32 to vector<30x2048xf32>
    %lt3A_32 = arith.cmpf olt, %get3A_29, %lt3A_31 : vector<30x2048xf32>
    %convert_element_type3A = arith.extui %lt3A_32 : vector<30x2048xi1> to vector<30x2048xi32>
    %convert_element_type3A_33 = arith.sitofp %convert_element_type3A : vector<30x2048xi32> to vector<30x2048xf32>
    %broadcast_in_dim3A_34 = arith.constant 1.000000e+00 : f32
    %broadcast_in_dim3A_35 = vector.broadcast %broadcast_in_dim3A_34 : f32 to vector<1x2048xf32>
    %broadcast_in_dim3A_36 = arith.constant 0.000000e+00 : f32
    %broadcast_in_dim3A_37 = vector.broadcast %broadcast_in_dim3A_36 : f32 to vector<1x2048xf32>
    %concatenate3A_38 = tpu.concatenate %convert_element_type3A_33, %broadcast_in_dim3A_35, %broadcast_in_dim3A_37 in 0 : vector<30x2048xf32>, vector<1x2048xf32>, vector<1x2048xf32> -> vector<32x2048xf32>
    %dot_general3A_39 = arith.constant dense<0.000000e+00> : vector<32x64xf32>
    %dot_general3A_40 = tpu.matmul %concatenate3A_38, %exp3A, %dot_general3A_39 {dimension_numbers = #tpu.dot_dimension_numbers<[1], [0], [0], [1], [0, 0, 1, 1], [], []>, transpose_lhs_hint = false} : vector<32x2048xf32>, vector<2048x64xf32>, vector<32x64xf32> -> vector<32x64xf32>
    %eq3A = arith.constant 0 : i32
    %eq3A_41 = arith.cmpi eq, %arg0, %eq3A : i32
    %convert_element_type3A_42 = arith.extui %eq3A_41 : i1 to i32
    %cond3A = arith.constant 0 : i32
    %cond3A_43 = arith.cmpi ne, %convert_element_type3A_42, %cond3A : i32
    scf.if %cond3A_43 {
      %swap3A_48 = arith.constant 0 : index
      %swap3A_49 = arith.constant 0 : index
      %swap3A_50 = vector.load %arg7[%swap3A_48, %swap3A_49] : memref<32x64xf32, #tpu.memory_space<vmem>>, vector<32x64xf32>
      tpu.vector_store %arg7[%swap3A_48, %swap3A_49], %dot_general3A_40 {strides = array<i32>} : memref<32x64xf32, #tpu.memory_space<vmem>>, vector<32x64xf32>,
    } else {
    }
    %gt3A = arith.constant 0 : i32
    %gt3A_44 = arith.cmpi sgt, %arg0, %gt3A : i32
    %convert_element_type3A_45 = arith.extui %gt3A_44 : i1 to i32
    %cond3A_46 = arith.constant 0 : i32
    %cond3A_47 = arith.cmpi ne, %convert_element_type3A_45, %cond3A_46 : i32
    scf.if %cond3A_47 {
      %get3A_48 = arith.constant 0 : index
      %get3A_49 = arith.constant 0 : index
      %get3A_50 = vector.load %arg7[%get3A_48, %get3A_49] : memref<32x64xf32, #tpu.memory_space<vmem>>, vector<32x64xf32>
      %add3A_51 = arith.addf %get3A_50, %dot_general3A_40 : vector<32x64xf32>
      %swap3A_52 = arith.constant 0 : index
      %swap3A_53 = arith.constant 0 : index
      %swap3A_54 = vector.load %arg7[%swap3A_52, %swap3A_53] : memref<32x64xf32, #tpu.memory_space<vmem>>, vector<32x64xf32>
      tpu.vector_store %arg7[%swap3A_52, %swap3A_53], %add3A_51 {strides = array<i32>} : memref<32x64xf32, #tpu.memory_space<vmem>>, vector<32x64xf32>,
    } else {
    }
    return
  }
  func.func @transform_0(%arg0: i32) -> (i32, i32) {
    %c0_i32 = arith.constant 0 : i32
    %c0_i32_0 = arith.constant 0 : i32
    return %arg0, %c0_i32 : i32, i32
  }
  func.func @transform_1(%arg0: i32) -> (i32, i32) {
    %c0_i32 = arith.constant 0 : i32
    %c0_i32_0 = arith.constant 0 : i32
    return %c0_i32, %arg0 : i32, i32
  }
  func.func @transform_2(%arg0: i32) -> (i32, i32) {
    %c0_i32 = arith.constant 0 : i32
    %c0_i32_0 = arith.constant 0 : i32
    %c0_i32_1 = arith.constant 0 : i32
    return %c0_i32, %c0_i32_0 : i32, i32
  }
  func.func @transform_3(%arg0: i32) -> (i32, i32) {
    %c0_i32 = arith.constant 0 : i32
    %c0_i32_0 = arith.constant 0 : i32
    %c0_i32_1 = arith.constant 0 : i32
    return %c0_i32, %c0_i32_0 : i32, i32
  }
  func.func @transform_4(%arg0: i32) -> (i32, i32) {
    %c0_i32 = arith.constant 0 : i32
    %c0_i32_0 = arith.constant 0 : i32
    %c0_i32_1 = arith.constant 0 : i32
    return %c0_i32, %c0_i32_0 : i32, i32
  }
  func.func @transform_5(%arg0: i32) -> (i32, i32) {
    %c0_i32 = arith.constant 0 : i32
    %c0_i32_0 = arith.constant 0 : i32
    return %arg0, %c0_i32 : i32, i32
  }
  func.func @transform_6(%arg0: i32) -> (i32, i32) {
    %c0_i32 = arith.constant 0 : i32
    %c0_i32_0 = arith.constant 0 : i32
    %c0_i32_1 = arith.constant 0 : i32
    return %c0_i32, %c0_i32_0 : i32, i32
  }
}

module attributes {stable_mosaic.version = 14 : i64} {
  func.func @_tighten_body(%arg0: i32, %arg1: memref<1x1280x32xi32, #tpu.memory_space<vmem>>, %arg2: memref<1x80x16xi32, #tpu.memory_space<vmem>>) attributes {dimension_semantics = [#tpu.dimension_semantics<arbitrary>], iteration_bounds = array<i64: 30>, scalar_prefetch = 0 : i64, scratch_operands = 0 : i64, tpu.core_type = #tpu.core_type<tc>, window_params = [{transform_indices = @transform_0, window_bounds = array<i64: 1, 1280, 32>}, {transform_indices = @transform_1, window_bounds = array<i64: 1, 80, 16>}]} {
    %get3A = arith.constant 0 : index
    %get3A_0 = arith.constant 0 : index
    %get3A_1 = arith.constant 0 : index
    %get3A_2 = vector.load %arg1[%get3A, %get3A_0, %get3A_1] : memref<1x1280x32xi32, #tpu.memory_space<vmem>>, vector<1x1280x32xi32>
    %get3A_3 = vector.shape_cast %get3A_2 : vector<1x1280x32xi32> to vector<1280x32xi32>
    %slice3A = vector.extract_strided_slice %get3A_3 {offsets = [0, 0], sizes = [1280, 16], strides = [1, 1]} : vector<1280x32xi32> to vector<1280x16xi32>
    %slice3A_4 = vector.extract_strided_slice %get3A_3 {offsets = [0, 16], sizes = [1280, 1], strides = [1, 1]} : vector<1280x32xi32> to vector<1280x1xi32>
    %lt3A = arith.constant 100000 : i32
    %lt3A_5 = vector.broadcast %lt3A : i32 to vector<1280x16xi32>
    %lt3A_6 = arith.cmpi slt, %slice3A, %lt3A_5 : vector<1280x16xi32>
    %convert_element_type3A = arith.extui %lt3A_6 : vector<1280x16xi1> to vector<1280x16xi32>
    %convert_element_type3A_7 = arith.sitofp %convert_element_type3A : vector<1280x16xi32> to vector<1280x16xf32>
    %iota3A = tpu.iota {dimensions = array<i32: 0>} : vector<16x16xi32>
    %iota3A_8 = tpu.iota {dimensions = array<i32: 1>} : vector<16x16xi32>
    %le3A = arith.cmpi sle, %iota3A_8, %iota3A : vector<16x16xi32>
    %convert_element_type3A_9 = arith.extui %le3A : vector<16x16xi1> to vector<16x16xi32>
    %convert_element_type3A_10 = arith.sitofp %convert_element_type3A_9 : vector<16x16xi32> to vector<16x16xf32>
    %dot_general3A = arith.constant dense<0.000000e+00> : vector<1280x16xf32>
    %dot_general3A_11 = tpu.matmul %convert_element_type3A_7, %convert_element_type3A_10, %dot_general3A {dimension_numbers = #tpu.dot_dimension_numbers<[1], [1], [0], [0], [0, 0, 1, 0], [], []>, precision = #tpu.contract_precision<fp32>, transpose_lhs_hint = false} : vector<1280x16xf32>, vector<16x16xf32>, vector<1280x16xf32> -> vector<1280x16xf32>
    %convert_element_type3A_12 = arith.fptosi %convert_element_type3A_7 : vector<1280x16xf32> to vector<1280x16xi32>
    %convert_element_type3A_13 = arith.fptosi %dot_general3A_11 : vector<1280x16xf32> to vector<1280x16xi32>
    %add3A = vector.broadcast %slice3A_4 : vector<1280x1xi32> to vector<1280x16xi32>
    %add3A_14 = arith.addi %add3A, %convert_element_type3A_13 : vector<1280x16xi32>
    %sub3A = arith.constant 1 : i32
    %sub3A_15 = vector.broadcast %sub3A : i32 to vector<1280x16xi32>
    %sub3A_16 = arith.subi %add3A_14, %sub3A_15 : vector<1280x16xi32>
    %mul3A = arith.muli %sub3A_16, %convert_element_type3A_12 : vector<1280x16xi32>
    %sub3A_17 = arith.constant 1 : i32
    %sub3A_18 = vector.broadcast %sub3A_17 : i32 to vector<1280x16xi32>
    %sub3A_19 = arith.subi %sub3A_18, %convert_element_type3A_12 : vector<1280x16xi32>
    %mul3A_20 = arith.constant 1280 : i32
    %mul3A_21 = vector.broadcast %mul3A_20 : i32 to vector<1280x16xi32>
    %mul3A_22 = arith.muli %mul3A_21, %sub3A_19 : vector<1280x16xi32>
    %add3A_23 = arith.addi %mul3A, %mul3A_22 : vector<1280x16xi32>
    %convert_element_type3A_24 = arith.sitofp %slice3A : vector<1280x16xi32> to vector<1280x16xf32>
    %iota3A_25 = tpu.iota {dimensions = array<i32: 1>} : vector<1280x80xi32>
    %iota3A_26 = tpu.iota {dimensions = array<i32: 1>} : vector<1280x16xi32>
    %broadcast_in_dim3A = arith.constant 0.000000e+00 : f32
    %broadcast_in_dim3A_27 = vector.broadcast %broadcast_in_dim3A : f32 to vector<80x16xf32>
    %broadcast_in_dim3A_28 = arith.constant 0.000000e+00 : f32
    %broadcast_in_dim3A_29 = vector.broadcast %broadcast_in_dim3A_28 : f32 to vector<80x16xf32>
    %slice3A_30 = vector.extract_strided_slice %add3A_23 {offsets = [0, 0], sizes = [1280, 1], strides = [1, 1]} : vector<1280x16xi32> to vector<1280x1xi32>
    %shift_right_arithmetic3A = arith.constant 4 : i32
    %shift_right_arithmetic3A_31 = vector.broadcast %shift_right_arithmetic3A : i32 to vector<1280x1xi32>
    %shift_right_arithmetic3A_32 = arith.shrsi %slice3A_30, %shift_right_arithmetic3A_31 : vector<1280x1xi32>
    %eq3A = vector.broadcast %shift_right_arithmetic3A_32 : vector<1280x1xi32> to vector<1280x80xi32>
    %eq3A_33 = arith.cmpi eq, %eq3A, %iota3A_25 : vector<1280x80xi32>
    %convert_element_type3A_34 = arith.extui %eq3A_33 : vector<1280x80xi1> to vector<1280x80xi32>
    %convert_element_type3A_35 = arith.sitofp %convert_element_type3A_34 : vector<1280x80xi32> to vector<1280x80xf32>
    %and3A = arith.constant 15 : i32
    %and3A_36 = vector.broadcast %and3A : i32 to vector<1280x1xi32>
    %and3A_37 = arith.andi %slice3A_30, %and3A_36 : vector<1280x1xi32>
    %eq3A_38 = vector.broadcast %and3A_37 : vector<1280x1xi32> to vector<1280x16xi32>
    %eq3A_39 = arith.cmpi eq, %eq3A_38, %iota3A_26 : vector<1280x16xi32>
    %convert_element_type3A_40 = arith.extui %eq3A_39 : vector<1280x16xi1> to vector<1280x16xi32>
    %convert_element_type3A_41 = arith.sitofp %convert_element_type3A_40 : vector<1280x16xi32> to vector<1280x16xf32>
    %slice3A_42 = vector.extract_strided_slice %convert_element_type3A_24 {offsets = [0, 0], sizes = [1280, 1], strides = [1, 1]} : vector<1280x16xf32> to vector<1280x1xf32>
    %mul3A_43 = vector.broadcast %slice3A_42 : vector<1280x1xf32> to vector<1280x16xf32>
    %mul3A_44 = arith.mulf %mul3A_43, %convert_element_type3A_41 : vector<1280x16xf32>
    %dot_general3A_45 = arith.constant dense<0.000000e+00> : vector<80x16xf32>
    %dot_general3A_46 = tpu.matmul %convert_element_type3A_35, %mul3A_44, %dot_general3A_45 {dimension_numbers = #tpu.dot_dimension_numbers<[0], [0], [1], [1], [0, 1, 1, 1], [], []>, precision = #tpu.contract_precision<fp32>, transpose_lhs_hint = false} : vector<1280x80xf32>, vector<1280x16xf32>, vector<80x16xf32> -> vector<80x16xf32>
    %add3A_47 = arith.addf %broadcast_in_dim3A_27, %dot_general3A_46 : vector<80x16xf32>
    %dot_general3A_48 = arith.constant dense<0.000000e+00> : vector<80x16xf32>
    %dot_general3A_49 = tpu.matmul %convert_element_type3A_35, %convert_element_type3A_41, %dot_general3A_48 {dimension_numbers = #tpu.dot_dimension_numbers<[0], [0], [1], [1], [0, 1, 1, 1], [], []>, precision = #tpu.contract_precision<fp32>, transpose_lhs_hint = false} : vector<1280x80xf32>, vector<1280x16xf32>, vector<80x16xf32> -> vector<80x16xf32>
    %add3A_50 = arith.addf %broadcast_in_dim3A_29, %dot_general3A_49 : vector<80x16xf32>
    %slice3A_51 = vector.extract_strided_slice %add3A_23 {offsets = [0, 1], sizes = [1280, 1], strides = [1, 1]} : vector<1280x16xi32> to vector<1280x1xi32>
    %shift_right_arithmetic3A_52 = arith.constant 4 : i32
    %shift_right_arithmetic3A_53 = vector.broadcast %shift_right_arithmetic3A_52 : i32 to vector<1280x1xi32>
    %shift_right_arithmetic3A_54 = arith.shrsi %slice3A_51, %shift_right_arithmetic3A_53 : vector<1280x1xi32>
    %eq3A_55 = vector.broadcast %shift_right_arithmetic3A_54 : vector<1280x1xi32> to vector<1280x80xi32>
    %eq3A_56 = arith.cmpi eq, %eq3A_55, %iota3A_25 : vector<1280x80xi32>
    %convert_element_type3A_57 = arith.extui %eq3A_56 : vector<1280x80xi1> to vector<1280x80xi32>
    %convert_element_type3A_58 = arith.sitofp %convert_element_type3A_57 : vector<1280x80xi32> to vector<1280x80xf32>
    %and3A_59 = arith.constant 15 : i32
    %and3A_60 = vector.broadcast %and3A_59 : i32 to vector<1280x1xi32>
    %and3A_61 = arith.andi %slice3A_51, %and3A_60 : vector<1280x1xi32>
    %eq3A_62 = vector.broadcast %and3A_61 : vector<1280x1xi32> to vector<1280x16xi32>
    %eq3A_63 = arith.cmpi eq, %eq3A_62, %iota3A_26 : vector<1280x16xi32>
    %convert_element_type3A_64 = arith.extui %eq3A_63 : vector<1280x16xi1> to vector<1280x16xi32>
    %convert_element_type3A_65 = arith.sitofp %convert_element_type3A_64 : vector<1280x16xi32> to vector<1280x16xf32>
    %slice3A_66 = vector.extract_strided_slice %convert_element_type3A_24 {offsets = [0, 1], sizes = [1280, 1], strides = [1, 1]} : vector<1280x16xf32> to vector<1280x1xf32>
    %mul3A_67 = vector.broadcast %slice3A_66 : vector<1280x1xf32> to vector<1280x16xf32>
    %mul3A_68 = arith.mulf %mul3A_67, %convert_element_type3A_65 : vector<1280x16xf32>
    %dot_general3A_69 = arith.constant dense<0.000000e+00> : vector<80x16xf32>
    %dot_general3A_70 = tpu.matmul %convert_element_type3A_58, %mul3A_68, %dot_general3A_69 {dimension_numbers = #tpu.dot_dimension_numbers<[0], [0], [1], [1], [0, 1, 1, 1], [], []>, precision = #tpu.contract_precision<fp32>, transpose_lhs_hint = false} : vector<1280x80xf32>, vector<1280x16xf32>, vector<80x16xf32> -> vector<80x16xf32>
    %add3A_71 = arith.addf %add3A_47, %dot_general3A_70 : vector<80x16xf32>
    %dot_general3A_72 = arith.constant dense<0.000000e+00> : vector<80x16xf32>
    %dot_general3A_73 = tpu.matmul %convert_element_type3A_58, %convert_element_type3A_65, %dot_general3A_72 {dimension_numbers = #tpu.dot_dimension_numbers<[0], [0], [1], [1], [0, 1, 1, 1], [], []>, precision = #tpu.contract_precision<fp32>, transpose_lhs_hint = false} : vector<1280x80xf32>, vector<1280x16xf32>, vector<80x16xf32> -> vector<80x16xf32>
    %add3A_74 = arith.addf %add3A_50, %dot_general3A_73 : vector<80x16xf32>
    %slice3A_75 = vector.extract_strided_slice %add3A_23 {offsets = [0, 2], sizes = [1280, 1], strides = [1, 1]} : vector<1280x16xi32> to vector<1280x1xi32>
    %shift_right_arithmetic3A_76 = arith.constant 4 : i32
    %shift_right_arithmetic3A_77 = vector.broadcast %shift_right_arithmetic3A_76 : i32 to vector<1280x1xi32>
    %shift_right_arithmetic3A_78 = arith.shrsi %slice3A_75, %shift_right_arithmetic3A_77 : vector<1280x1xi32>
    %eq3A_79 = vector.broadcast %shift_right_arithmetic3A_78 : vector<1280x1xi32> to vector<1280x80xi32>
    %eq3A_80 = arith.cmpi eq, %eq3A_79, %iota3A_25 : vector<1280x80xi32>
    %convert_element_type3A_81 = arith.extui %eq3A_80 : vector<1280x80xi1> to vector<1280x80xi32>
    %convert_element_type3A_82 = arith.sitofp %convert_element_type3A_81 : vector<1280x80xi32> to vector<1280x80xf32>
    %and3A_83 = arith.constant 15 : i32
    %and3A_84 = vector.broadcast %and3A_83 : i32 to vector<1280x1xi32>
    %and3A_85 = arith.andi %slice3A_75, %and3A_84 : vector<1280x1xi32>
    %eq3A_86 = vector.broadcast %and3A_85 : vector<1280x1xi32> to vector<1280x16xi32>
    %eq3A_87 = arith.cmpi eq, %eq3A_86, %iota3A_26 : vector<1280x16xi32>
    %convert_element_type3A_88 = arith.extui %eq3A_87 : vector<1280x16xi1> to vector<1280x16xi32>
    %convert_element_type3A_89 = arith.sitofp %convert_element_type3A_88 : vector<1280x16xi32> to vector<1280x16xf32>
    %slice3A_90 = vector.extract_strided_slice %convert_element_type3A_24 {offsets = [0, 2], sizes = [1280, 1], strides = [1, 1]} : vector<1280x16xf32> to vector<1280x1xf32>
    %mul3A_91 = vector.broadcast %slice3A_90 : vector<1280x1xf32> to vector<1280x16xf32>
    %mul3A_92 = arith.mulf %mul3A_91, %convert_element_type3A_89 : vector<1280x16xf32>
    %dot_general3A_93 = arith.constant dense<0.000000e+00> : vector<80x16xf32>
    %dot_general3A_94 = tpu.matmul %convert_element_type3A_82, %mul3A_92, %dot_general3A_93 {dimension_numbers = #tpu.dot_dimension_numbers<[0], [0], [1], [1], [0, 1, 1, 1], [], []>, precision = #tpu.contract_precision<fp32>, transpose_lhs_hint = false} : vector<1280x80xf32>, vector<1280x16xf32>, vector<80x16xf32> -> vector<80x16xf32>
    %add3A_95 = arith.addf %add3A_71, %dot_general3A_94 : vector<80x16xf32>
    %dot_general3A_96 = arith.constant dense<0.000000e+00> : vector<80x16xf32>
    %dot_general3A_97 = tpu.matmul %convert_element_type3A_82, %convert_element_type3A_89, %dot_general3A_96 {dimension_numbers = #tpu.dot_dimension_numbers<[0], [0], [1], [1], [0, 1, 1, 1], [], []>, precision = #tpu.contract_precision<fp32>, transpose_lhs_hint = false} : vector<1280x80xf32>, vector<1280x16xf32>, vector<80x16xf32> -> vector<80x16xf32>
    %add3A_98 = arith.addf %add3A_74, %dot_general3A_97 : vector<80x16xf32>
    %slice3A_99 = vector.extract_strided_slice %add3A_23 {offsets = [0, 3], sizes = [1280, 1], strides = [1, 1]} : vector<1280x16xi32> to vector<1280x1xi32>
    %shift_right_arithmetic3A_100 = arith.constant 4 : i32
    %shift_right_arithmetic3A_101 = vector.broadcast %shift_right_arithmetic3A_100 : i32 to vector<1280x1xi32>
    %shift_right_arithmetic3A_102 = arith.shrsi %slice3A_99, %shift_right_arithmetic3A_101 : vector<1280x1xi32>
    %eq3A_103 = vector.broadcast %shift_right_arithmetic3A_102 : vector<1280x1xi32> to vector<1280x80xi32>
    %eq3A_104 = arith.cmpi eq, %eq3A_103, %iota3A_25 : vector<1280x80xi32>
    %convert_element_type3A_105 = arith.extui %eq3A_104 : vector<1280x80xi1> to vector<1280x80xi32>
    %convert_element_type3A_106 = arith.sitofp %convert_element_type3A_105 : vector<1280x80xi32> to vector<1280x80xf32>
    %and3A_107 = arith.constant 15 : i32
    %and3A_108 = vector.broadcast %and3A_107 : i32 to vector<1280x1xi32>
    %and3A_109 = arith.andi %slice3A_99, %and3A_108 : vector<1280x1xi32>
    %eq3A_110 = vector.broadcast %and3A_109 : vector<1280x1xi32> to vector<1280x16xi32>
    %eq3A_111 = arith.cmpi eq, %eq3A_110, %iota3A_26 : vector<1280x16xi32>
    %convert_element_type3A_112 = arith.extui %eq3A_111 : vector<1280x16xi1> to vector<1280x16xi32>
    %convert_element_type3A_113 = arith.sitofp %convert_element_type3A_112 : vector<1280x16xi32> to vector<1280x16xf32>
    %slice3A_114 = vector.extract_strided_slice %convert_element_type3A_24 {offsets = [0, 3], sizes = [1280, 1], strides = [1, 1]} : vector<1280x16xf32> to vector<1280x1xf32>
    %mul3A_115 = vector.broadcast %slice3A_114 : vector<1280x1xf32> to vector<1280x16xf32>
    %mul3A_116 = arith.mulf %mul3A_115, %convert_element_type3A_113 : vector<1280x16xf32>
    %dot_general3A_117 = arith.constant dense<0.000000e+00> : vector<80x16xf32>
    %dot_general3A_118 = tpu.matmul %convert_element_type3A_106, %mul3A_116, %dot_general3A_117 {dimension_numbers = #tpu.dot_dimension_numbers<[0], [0], [1], [1], [0, 1, 1, 1], [], []>, precision = #tpu.contract_precision<fp32>, transpose_lhs_hint = false} : vector<1280x80xf32>, vector<1280x16xf32>, vector<80x16xf32> -> vector<80x16xf32>
    %add3A_119 = arith.addf %add3A_95, %dot_general3A_118 : vector<80x16xf32>
    %dot_general3A_120 = arith.constant dense<0.000000e+00> : vector<80x16xf32>
    %dot_general3A_121 = tpu.matmul %convert_element_type3A_106, %convert_element_type3A_113, %dot_general3A_120 {dimension_numbers = #tpu.dot_dimension_numbers<[0], [0], [1], [1], [0, 1, 1, 1], [], []>, precision = #tpu.contract_precision<fp32>, transpose_lhs_hint = false} : vector<1280x80xf32>, vector<1280x16xf32>, vector<80x16xf32> -> vector<80x16xf32>
    %add3A_122 = arith.addf %add3A_98, %dot_general3A_121 : vector<80x16xf32>
    %slice3A_123 = vector.extract_strided_slice %add3A_23 {offsets = [0, 4], sizes = [1280, 1], strides = [1, 1]} : vector<1280x16xi32> to vector<1280x1xi32>
    %shift_right_arithmetic3A_124 = arith.constant 4 : i32
    %shift_right_arithmetic3A_125 = vector.broadcast %shift_right_arithmetic3A_124 : i32 to vector<1280x1xi32>
    %shift_right_arithmetic3A_126 = arith.shrsi %slice3A_123, %shift_right_arithmetic3A_125 : vector<1280x1xi32>
    %eq3A_127 = vector.broadcast %shift_right_arithmetic3A_126 : vector<1280x1xi32> to vector<1280x80xi32>
    %eq3A_128 = arith.cmpi eq, %eq3A_127, %iota3A_25 : vector<1280x80xi32>
    %convert_element_type3A_129 = arith.extui %eq3A_128 : vector<1280x80xi1> to vector<1280x80xi32>
    %convert_element_type3A_130 = arith.sitofp %convert_element_type3A_129 : vector<1280x80xi32> to vector<1280x80xf32>
    %and3A_131 = arith.constant 15 : i32
    %and3A_132 = vector.broadcast %and3A_131 : i32 to vector<1280x1xi32>
    %and3A_133 = arith.andi %slice3A_123, %and3A_132 : vector<1280x1xi32>
    %eq3A_134 = vector.broadcast %and3A_133 : vector<1280x1xi32> to vector<1280x16xi32>
    %eq3A_135 = arith.cmpi eq, %eq3A_134, %iota3A_26 : vector<1280x16xi32>
    %convert_element_type3A_136 = arith.extui %eq3A_135 : vector<1280x16xi1> to vector<1280x16xi32>
    %convert_element_type3A_137 = arith.sitofp %convert_element_type3A_136 : vector<1280x16xi32> to vector<1280x16xf32>
    %slice3A_138 = vector.extract_strided_slice %convert_element_type3A_24 {offsets = [0, 4], sizes = [1280, 1], strides = [1, 1]} : vector<1280x16xf32> to vector<1280x1xf32>
    %mul3A_139 = vector.broadcast %slice3A_138 : vector<1280x1xf32> to vector<1280x16xf32>
    %mul3A_140 = arith.mulf %mul3A_139, %convert_element_type3A_137 : vector<1280x16xf32>
    %dot_general3A_141 = arith.constant dense<0.000000e+00> : vector<80x16xf32>
    %dot_general3A_142 = tpu.matmul %convert_element_type3A_130, %mul3A_140, %dot_general3A_141 {dimension_numbers = #tpu.dot_dimension_numbers<[0], [0], [1], [1], [0, 1, 1, 1], [], []>, precision = #tpu.contract_precision<fp32>, transpose_lhs_hint = false} : vector<1280x80xf32>, vector<1280x16xf32>, vector<80x16xf32> -> vector<80x16xf32>
    %add3A_143 = arith.addf %add3A_119, %dot_general3A_142 : vector<80x16xf32>
    %dot_general3A_144 = arith.constant dense<0.000000e+00> : vector<80x16xf32>
    %dot_general3A_145 = tpu.matmul %convert_element_type3A_130, %convert_element_type3A_137, %dot_general3A_144 {dimension_numbers = #tpu.dot_dimension_numbers<[0], [0], [1], [1], [0, 1, 1, 1], [], []>, precision = #tpu.contract_precision<fp32>, transpose_lhs_hint = false} : vector<1280x80xf32>, vector<1280x16xf32>, vector<80x16xf32> -> vector<80x16xf32>
    %add3A_146 = arith.addf %add3A_122, %dot_general3A_145 : vector<80x16xf32>
    %slice3A_147 = vector.extract_strided_slice %add3A_23 {offsets = [0, 5], sizes = [1280, 1], strides = [1, 1]} : vector<1280x16xi32> to vector<1280x1xi32>
    %shift_right_arithmetic3A_148 = arith.constant 4 : i32
    %shift_right_arithmetic3A_149 = vector.broadcast %shift_right_arithmetic3A_148 : i32 to vector<1280x1xi32>
    %shift_right_arithmetic3A_150 = arith.shrsi %slice3A_147, %shift_right_arithmetic3A_149 : vector<1280x1xi32>
    %eq3A_151 = vector.broadcast %shift_right_arithmetic3A_150 : vector<1280x1xi32> to vector<1280x80xi32>
    %eq3A_152 = arith.cmpi eq, %eq3A_151, %iota3A_25 : vector<1280x80xi32>
    %convert_element_type3A_153 = arith.extui %eq3A_152 : vector<1280x80xi1> to vector<1280x80xi32>
    %convert_element_type3A_154 = arith.sitofp %convert_element_type3A_153 : vector<1280x80xi32> to vector<1280x80xf32>
    %and3A_155 = arith.constant 15 : i32
    %and3A_156 = vector.broadcast %and3A_155 : i32 to vector<1280x1xi32>
    %and3A_157 = arith.andi %slice3A_147, %and3A_156 : vector<1280x1xi32>
    %eq3A_158 = vector.broadcast %and3A_157 : vector<1280x1xi32> to vector<1280x16xi32>
    %eq3A_159 = arith.cmpi eq, %eq3A_158, %iota3A_26 : vector<1280x16xi32>
    %convert_element_type3A_160 = arith.extui %eq3A_159 : vector<1280x16xi1> to vector<1280x16xi32>
    %convert_element_type3A_161 = arith.sitofp %convert_element_type3A_160 : vector<1280x16xi32> to vector<1280x16xf32>
    %slice3A_162 = vector.extract_strided_slice %convert_element_type3A_24 {offsets = [0, 5], sizes = [1280, 1], strides = [1, 1]} : vector<1280x16xf32> to vector<1280x1xf32>
    %mul3A_163 = vector.broadcast %slice3A_162 : vector<1280x1xf32> to vector<1280x16xf32>
    %mul3A_164 = arith.mulf %mul3A_163, %convert_element_type3A_161 : vector<1280x16xf32>
    %dot_general3A_165 = arith.constant dense<0.000000e+00> : vector<80x16xf32>
    %dot_general3A_166 = tpu.matmul %convert_element_type3A_154, %mul3A_164, %dot_general3A_165 {dimension_numbers = #tpu.dot_dimension_numbers<[0], [0], [1], [1], [0, 1, 1, 1], [], []>, precision = #tpu.contract_precision<fp32>, transpose_lhs_hint = false} : vector<1280x80xf32>, vector<1280x16xf32>, vector<80x16xf32> -> vector<80x16xf32>
    %add3A_167 = arith.addf %add3A_143, %dot_general3A_166 : vector<80x16xf32>
    %dot_general3A_168 = arith.constant dense<0.000000e+00> : vector<80x16xf32>
    %dot_general3A_169 = tpu.matmul %convert_element_type3A_154, %convert_element_type3A_161, %dot_general3A_168 {dimension_numbers = #tpu.dot_dimension_numbers<[0], [0], [1], [1], [0, 1, 1, 1], [], []>, precision = #tpu.contract_precision<fp32>, transpose_lhs_hint = false} : vector<1280x80xf32>, vector<1280x16xf32>, vector<80x16xf32> -> vector<80x16xf32>
    %add3A_170 = arith.addf %add3A_146, %dot_general3A_169 : vector<80x16xf32>
    %slice3A_171 = vector.extract_strided_slice %add3A_23 {offsets = [0, 6], sizes = [1280, 1], strides = [1, 1]} : vector<1280x16xi32> to vector<1280x1xi32>
    %shift_right_arithmetic3A_172 = arith.constant 4 : i32
    %shift_right_arithmetic3A_173 = vector.broadcast %shift_right_arithmetic3A_172 : i32 to vector<1280x1xi32>
    %shift_right_arithmetic3A_174 = arith.shrsi %slice3A_171, %shift_right_arithmetic3A_173 : vector<1280x1xi32>
    %eq3A_175 = vector.broadcast %shift_right_arithmetic3A_174 : vector<1280x1xi32> to vector<1280x80xi32>
    %eq3A_176 = arith.cmpi eq, %eq3A_175, %iota3A_25 : vector<1280x80xi32>
    %convert_element_type3A_177 = arith.extui %eq3A_176 : vector<1280x80xi1> to vector<1280x80xi32>
    %convert_element_type3A_178 = arith.sitofp %convert_element_type3A_177 : vector<1280x80xi32> to vector<1280x80xf32>
    %and3A_179 = arith.constant 15 : i32
    %and3A_180 = vector.broadcast %and3A_179 : i32 to vector<1280x1xi32>
    %and3A_181 = arith.andi %slice3A_171, %and3A_180 : vector<1280x1xi32>
    %eq3A_182 = vector.broadcast %and3A_181 : vector<1280x1xi32> to vector<1280x16xi32>
    %eq3A_183 = arith.cmpi eq, %eq3A_182, %iota3A_26 : vector<1280x16xi32>
    %convert_element_type3A_184 = arith.extui %eq3A_183 : vector<1280x16xi1> to vector<1280x16xi32>
    %convert_element_type3A_185 = arith.sitofp %convert_element_type3A_184 : vector<1280x16xi32> to vector<1280x16xf32>
    %slice3A_186 = vector.extract_strided_slice %convert_element_type3A_24 {offsets = [0, 6], sizes = [1280, 1], strides = [1, 1]} : vector<1280x16xf32> to vector<1280x1xf32>
    %mul3A_187 = vector.broadcast %slice3A_186 : vector<1280x1xf32> to vector<1280x16xf32>
    %mul3A_188 = arith.mulf %mul3A_187, %convert_element_type3A_185 : vector<1280x16xf32>
    %dot_general3A_189 = arith.constant dense<0.000000e+00> : vector<80x16xf32>
    %dot_general3A_190 = tpu.matmul %convert_element_type3A_178, %mul3A_188, %dot_general3A_189 {dimension_numbers = #tpu.dot_dimension_numbers<[0], [0], [1], [1], [0, 1, 1, 1], [], []>, precision = #tpu.contract_precision<fp32>, transpose_lhs_hint = false} : vector<1280x80xf32>, vector<1280x16xf32>, vector<80x16xf32> -> vector<80x16xf32>
    %add3A_191 = arith.addf %add3A_167, %dot_general3A_190 : vector<80x16xf32>
    %dot_general3A_192 = arith.constant dense<0.000000e+00> : vector<80x16xf32>
    %dot_general3A_193 = tpu.matmul %convert_element_type3A_178, %convert_element_type3A_185, %dot_general3A_192 {dimension_numbers = #tpu.dot_dimension_numbers<[0], [0], [1], [1], [0, 1, 1, 1], [], []>, precision = #tpu.contract_precision<fp32>, transpose_lhs_hint = false} : vector<1280x80xf32>, vector<1280x16xf32>, vector<80x16xf32> -> vector<80x16xf32>
    %add3A_194 = arith.addf %add3A_170, %dot_general3A_193 : vector<80x16xf32>
    %slice3A_195 = vector.extract_strided_slice %add3A_23 {offsets = [0, 7], sizes = [1280, 1], strides = [1, 1]} : vector<1280x16xi32> to vector<1280x1xi32>
    %shift_right_arithmetic3A_196 = arith.constant 4 : i32
    %shift_right_arithmetic3A_197 = vector.broadcast %shift_right_arithmetic3A_196 : i32 to vector<1280x1xi32>
    %shift_right_arithmetic3A_198 = arith.shrsi %slice3A_195, %shift_right_arithmetic3A_197 : vector<1280x1xi32>
    %eq3A_199 = vector.broadcast %shift_right_arithmetic3A_198 : vector<1280x1xi32> to vector<1280x80xi32>
    %eq3A_200 = arith.cmpi eq, %eq3A_199, %iota3A_25 : vector<1280x80xi32>
    %convert_element_type3A_201 = arith.extui %eq3A_200 : vector<1280x80xi1> to vector<1280x80xi32>
    %convert_element_type3A_202 = arith.sitofp %convert_element_type3A_201 : vector<1280x80xi32> to vector<1280x80xf32>
    %and3A_203 = arith.constant 15 : i32
    %and3A_204 = vector.broadcast %and3A_203 : i32 to vector<1280x1xi32>
    %and3A_205 = arith.andi %slice3A_195, %and3A_204 : vector<1280x1xi32>
    %eq3A_206 = vector.broadcast %and3A_205 : vector<1280x1xi32> to vector<1280x16xi32>
    %eq3A_207 = arith.cmpi eq, %eq3A_206, %iota3A_26 : vector<1280x16xi32>
    %convert_element_type3A_208 = arith.extui %eq3A_207 : vector<1280x16xi1> to vector<1280x16xi32>
    %convert_element_type3A_209 = arith.sitofp %convert_element_type3A_208 : vector<1280x16xi32> to vector<1280x16xf32>
    %slice3A_210 = vector.extract_strided_slice %convert_element_type3A_24 {offsets = [0, 7], sizes = [1280, 1], strides = [1, 1]} : vector<1280x16xf32> to vector<1280x1xf32>
    %mul3A_211 = vector.broadcast %slice3A_210 : vector<1280x1xf32> to vector<1280x16xf32>
    %mul3A_212 = arith.mulf %mul3A_211, %convert_element_type3A_209 : vector<1280x16xf32>
    %dot_general3A_213 = arith.constant dense<0.000000e+00> : vector<80x16xf32>
    %dot_general3A_214 = tpu.matmul %convert_element_type3A_202, %mul3A_212, %dot_general3A_213 {dimension_numbers = #tpu.dot_dimension_numbers<[0], [0], [1], [1], [0, 1, 1, 1], [], []>, precision = #tpu.contract_precision<fp32>, transpose_lhs_hint = false} : vector<1280x80xf32>, vector<1280x16xf32>, vector<80x16xf32> -> vector<80x16xf32>
    %add3A_215 = arith.addf %add3A_191, %dot_general3A_214 : vector<80x16xf32>
    %dot_general3A_216 = arith.constant dense<0.000000e+00> : vector<80x16xf32>
    %dot_general3A_217 = tpu.matmul %convert_element_type3A_202, %convert_element_type3A_209, %dot_general3A_216 {dimension_numbers = #tpu.dot_dimension_numbers<[0], [0], [1], [1], [0, 1, 1, 1], [], []>, precision = #tpu.contract_precision<fp32>, transpose_lhs_hint = false} : vector<1280x80xf32>, vector<1280x16xf32>, vector<80x16xf32> -> vector<80x16xf32>
    %add3A_218 = arith.addf %add3A_194, %dot_general3A_217 : vector<80x16xf32>
    %slice3A_219 = vector.extract_strided_slice %add3A_23 {offsets = [0, 8], sizes = [1280, 1], strides = [1, 1]} : vector<1280x16xi32> to vector<1280x1xi32>
    %shift_right_arithmetic3A_220 = arith.constant 4 : i32
    %shift_right_arithmetic3A_221 = vector.broadcast %shift_right_arithmetic3A_220 : i32 to vector<1280x1xi32>
    %shift_right_arithmetic3A_222 = arith.shrsi %slice3A_219, %shift_right_arithmetic3A_221 : vector<1280x1xi32>
    %eq3A_223 = vector.broadcast %shift_right_arithmetic3A_222 : vector<1280x1xi32> to vector<1280x80xi32>
    %eq3A_224 = arith.cmpi eq, %eq3A_223, %iota3A_25 : vector<1280x80xi32>
    %convert_element_type3A_225 = arith.extui %eq3A_224 : vector<1280x80xi1> to vector<1280x80xi32>
    %convert_element_type3A_226 = arith.sitofp %convert_element_type3A_225 : vector<1280x80xi32> to vector<1280x80xf32>
    %and3A_227 = arith.constant 15 : i32
    %and3A_228 = vector.broadcast %and3A_227 : i32 to vector<1280x1xi32>
    %and3A_229 = arith.andi %slice3A_219, %and3A_228 : vector<1280x1xi32>
    %eq3A_230 = vector.broadcast %and3A_229 : vector<1280x1xi32> to vector<1280x16xi32>
    %eq3A_231 = arith.cmpi eq, %eq3A_230, %iota3A_26 : vector<1280x16xi32>
    %convert_element_type3A_232 = arith.extui %eq3A_231 : vector<1280x16xi1> to vector<1280x16xi32>
    %convert_element_type3A_233 = arith.sitofp %convert_element_type3A_232 : vector<1280x16xi32> to vector<1280x16xf32>
    %slice3A_234 = vector.extract_strided_slice %convert_element_type3A_24 {offsets = [0, 8], sizes = [1280, 1], strides = [1, 1]} : vector<1280x16xf32> to vector<1280x1xf32>
    %mul3A_235 = vector.broadcast %slice3A_234 : vector<1280x1xf32> to vector<1280x16xf32>
    %mul3A_236 = arith.mulf %mul3A_235, %convert_element_type3A_233 : vector<1280x16xf32>
    %dot_general3A_237 = arith.constant dense<0.000000e+00> : vector<80x16xf32>
    %dot_general3A_238 = tpu.matmul %convert_element_type3A_226, %mul3A_236, %dot_general3A_237 {dimension_numbers = #tpu.dot_dimension_numbers<[0], [0], [1], [1], [0, 1, 1, 1], [], []>, precision = #tpu.contract_precision<fp32>, transpose_lhs_hint = false} : vector<1280x80xf32>, vector<1280x16xf32>, vector<80x16xf32> -> vector<80x16xf32>
    %add3A_239 = arith.addf %add3A_215, %dot_general3A_238 : vector<80x16xf32>
    %dot_general3A_240 = arith.constant dense<0.000000e+00> : vector<80x16xf32>
    %dot_general3A_241 = tpu.matmul %convert_element_type3A_226, %convert_element_type3A_233, %dot_general3A_240 {dimension_numbers = #tpu.dot_dimension_numbers<[0], [0], [1], [1], [0, 1, 1, 1], [], []>, precision = #tpu.contract_precision<fp32>, transpose_lhs_hint = false} : vector<1280x80xf32>, vector<1280x16xf32>, vector<80x16xf32> -> vector<80x16xf32>
    %add3A_242 = arith.addf %add3A_218, %dot_general3A_241 : vector<80x16xf32>
    %slice3A_243 = vector.extract_strided_slice %add3A_23 {offsets = [0, 9], sizes = [1280, 1], strides = [1, 1]} : vector<1280x16xi32> to vector<1280x1xi32>
    %shift_right_arithmetic3A_244 = arith.constant 4 : i32
    %shift_right_arithmetic3A_245 = vector.broadcast %shift_right_arithmetic3A_244 : i32 to vector<1280x1xi32>
    %shift_right_arithmetic3A_246 = arith.shrsi %slice3A_243, %shift_right_arithmetic3A_245 : vector<1280x1xi32>
    %eq3A_247 = vector.broadcast %shift_right_arithmetic3A_246 : vector<1280x1xi32> to vector<1280x80xi32>
    %eq3A_248 = arith.cmpi eq, %eq3A_247, %iota3A_25 : vector<1280x80xi32>
    %convert_element_type3A_249 = arith.extui %eq3A_248 : vector<1280x80xi1> to vector<1280x80xi32>
    %convert_element_type3A_250 = arith.sitofp %convert_element_type3A_249 : vector<1280x80xi32> to vector<1280x80xf32>
    %and3A_251 = arith.constant 15 : i32
    %and3A_252 = vector.broadcast %and3A_251 : i32 to vector<1280x1xi32>
    %and3A_253 = arith.andi %slice3A_243, %and3A_252 : vector<1280x1xi32>
    %eq3A_254 = vector.broadcast %and3A_253 : vector<1280x1xi32> to vector<1280x16xi32>
    %eq3A_255 = arith.cmpi eq, %eq3A_254, %iota3A_26 : vector<1280x16xi32>
    %convert_element_type3A_256 = arith.extui %eq3A_255 : vector<1280x16xi1> to vector<1280x16xi32>
    %convert_element_type3A_257 = arith.sitofp %convert_element_type3A_256 : vector<1280x16xi32> to vector<1280x16xf32>
    %slice3A_258 = vector.extract_strided_slice %convert_element_type3A_24 {offsets = [0, 9], sizes = [1280, 1], strides = [1, 1]} : vector<1280x16xf32> to vector<1280x1xf32>
    %mul3A_259 = vector.broadcast %slice3A_258 : vector<1280x1xf32> to vector<1280x16xf32>
    %mul3A_260 = arith.mulf %mul3A_259, %convert_element_type3A_257 : vector<1280x16xf32>
    %dot_general3A_261 = arith.constant dense<0.000000e+00> : vector<80x16xf32>
    %dot_general3A_262 = tpu.matmul %convert_element_type3A_250, %mul3A_260, %dot_general3A_261 {dimension_numbers = #tpu.dot_dimension_numbers<[0], [0], [1], [1], [0, 1, 1, 1], [], []>, precision = #tpu.contract_precision<fp32>, transpose_lhs_hint = false} : vector<1280x80xf32>, vector<1280x16xf32>, vector<80x16xf32> -> vector<80x16xf32>
    %add3A_263 = arith.addf %add3A_239, %dot_general3A_262 : vector<80x16xf32>
    %dot_general3A_264 = arith.constant dense<0.000000e+00> : vector<80x16xf32>
    %dot_general3A_265 = tpu.matmul %convert_element_type3A_250, %convert_element_type3A_257, %dot_general3A_264 {dimension_numbers = #tpu.dot_dimension_numbers<[0], [0], [1], [1], [0, 1, 1, 1], [], []>, precision = #tpu.contract_precision<fp32>, transpose_lhs_hint = false} : vector<1280x80xf32>, vector<1280x16xf32>, vector<80x16xf32> -> vector<80x16xf32>
    %add3A_266 = arith.addf %add3A_242, %dot_general3A_265 : vector<80x16xf32>
    %slice3A_267 = vector.extract_strided_slice %add3A_23 {offsets = [0, 10], sizes = [1280, 1], strides = [1, 1]} : vector<1280x16xi32> to vector<1280x1xi32>
    %shift_right_arithmetic3A_268 = arith.constant 4 : i32
    %shift_right_arithmetic3A_269 = vector.broadcast %shift_right_arithmetic3A_268 : i32 to vector<1280x1xi32>
    %shift_right_arithmetic3A_270 = arith.shrsi %slice3A_267, %shift_right_arithmetic3A_269 : vector<1280x1xi32>
    %eq3A_271 = vector.broadcast %shift_right_arithmetic3A_270 : vector<1280x1xi32> to vector<1280x80xi32>
    %eq3A_272 = arith.cmpi eq, %eq3A_271, %iota3A_25 : vector<1280x80xi32>
    %convert_element_type3A_273 = arith.extui %eq3A_272 : vector<1280x80xi1> to vector<1280x80xi32>
    %convert_element_type3A_274 = arith.sitofp %convert_element_type3A_273 : vector<1280x80xi32> to vector<1280x80xf32>
    %and3A_275 = arith.constant 15 : i32
    %and3A_276 = vector.broadcast %and3A_275 : i32 to vector<1280x1xi32>
    %and3A_277 = arith.andi %slice3A_267, %and3A_276 : vector<1280x1xi32>
    %eq3A_278 = vector.broadcast %and3A_277 : vector<1280x1xi32> to vector<1280x16xi32>
    %eq3A_279 = arith.cmpi eq, %eq3A_278, %iota3A_26 : vector<1280x16xi32>
    %convert_element_type3A_280 = arith.extui %eq3A_279 : vector<1280x16xi1> to vector<1280x16xi32>
    %convert_element_type3A_281 = arith.sitofp %convert_element_type3A_280 : vector<1280x16xi32> to vector<1280x16xf32>
    %slice3A_282 = vector.extract_strided_slice %convert_element_type3A_24 {offsets = [0, 10], sizes = [1280, 1], strides = [1, 1]} : vector<1280x16xf32> to vector<1280x1xf32>
    %mul3A_283 = vector.broadcast %slice3A_282 : vector<1280x1xf32> to vector<1280x16xf32>
    %mul3A_284 = arith.mulf %mul3A_283, %convert_element_type3A_281 : vector<1280x16xf32>
    %dot_general3A_285 = arith.constant dense<0.000000e+00> : vector<80x16xf32>
    %dot_general3A_286 = tpu.matmul %convert_element_type3A_274, %mul3A_284, %dot_general3A_285 {dimension_numbers = #tpu.dot_dimension_numbers<[0], [0], [1], [1], [0, 1, 1, 1], [], []>, precision = #tpu.contract_precision<fp32>, transpose_lhs_hint = false} : vector<1280x80xf32>, vector<1280x16xf32>, vector<80x16xf32> -> vector<80x16xf32>
    %add3A_287 = arith.addf %add3A_263, %dot_general3A_286 : vector<80x16xf32>
    %dot_general3A_288 = arith.constant dense<0.000000e+00> : vector<80x16xf32>
    %dot_general3A_289 = tpu.matmul %convert_element_type3A_274, %convert_element_type3A_281, %dot_general3A_288 {dimension_numbers = #tpu.dot_dimension_numbers<[0], [0], [1], [1], [0, 1, 1, 1], [], []>, precision = #tpu.contract_precision<fp32>, transpose_lhs_hint = false} : vector<1280x80xf32>, vector<1280x16xf32>, vector<80x16xf32> -> vector<80x16xf32>
    %add3A_290 = arith.addf %add3A_266, %dot_general3A_289 : vector<80x16xf32>
    %slice3A_291 = vector.extract_strided_slice %add3A_23 {offsets = [0, 11], sizes = [1280, 1], strides = [1, 1]} : vector<1280x16xi32> to vector<1280x1xi32>
    %shift_right_arithmetic3A_292 = arith.constant 4 : i32
    %shift_right_arithmetic3A_293 = vector.broadcast %shift_right_arithmetic3A_292 : i32 to vector<1280x1xi32>
    %shift_right_arithmetic3A_294 = arith.shrsi %slice3A_291, %shift_right_arithmetic3A_293 : vector<1280x1xi32>
    %eq3A_295 = vector.broadcast %shift_right_arithmetic3A_294 : vector<1280x1xi32> to vector<1280x80xi32>
    %eq3A_296 = arith.cmpi eq, %eq3A_295, %iota3A_25 : vector<1280x80xi32>
    %convert_element_type3A_297 = arith.extui %eq3A_296 : vector<1280x80xi1> to vector<1280x80xi32>
    %convert_element_type3A_298 = arith.sitofp %convert_element_type3A_297 : vector<1280x80xi32> to vector<1280x80xf32>
    %and3A_299 = arith.constant 15 : i32
    %and3A_300 = vector.broadcast %and3A_299 : i32 to vector<1280x1xi32>
    %and3A_301 = arith.andi %slice3A_291, %and3A_300 : vector<1280x1xi32>
    %eq3A_302 = vector.broadcast %and3A_301 : vector<1280x1xi32> to vector<1280x16xi32>
    %eq3A_303 = arith.cmpi eq, %eq3A_302, %iota3A_26 : vector<1280x16xi32>
    %convert_element_type3A_304 = arith.extui %eq3A_303 : vector<1280x16xi1> to vector<1280x16xi32>
    %convert_element_type3A_305 = arith.sitofp %convert_element_type3A_304 : vector<1280x16xi32> to vector<1280x16xf32>
    %slice3A_306 = vector.extract_strided_slice %convert_element_type3A_24 {offsets = [0, 11], sizes = [1280, 1], strides = [1, 1]} : vector<1280x16xf32> to vector<1280x1xf32>
    %mul3A_307 = vector.broadcast %slice3A_306 : vector<1280x1xf32> to vector<1280x16xf32>
    %mul3A_308 = arith.mulf %mul3A_307, %convert_element_type3A_305 : vector<1280x16xf32>
    %dot_general3A_309 = arith.constant dense<0.000000e+00> : vector<80x16xf32>
    %dot_general3A_310 = tpu.matmul %convert_element_type3A_298, %mul3A_308, %dot_general3A_309 {dimension_numbers = #tpu.dot_dimension_numbers<[0], [0], [1], [1], [0, 1, 1, 1], [], []>, precision = #tpu.contract_precision<fp32>, transpose_lhs_hint = false} : vector<1280x80xf32>, vector<1280x16xf32>, vector<80x16xf32> -> vector<80x16xf32>
    %add3A_311 = arith.addf %add3A_287, %dot_general3A_310 : vector<80x16xf32>
    %dot_general3A_312 = arith.constant dense<0.000000e+00> : vector<80x16xf32>
    %dot_general3A_313 = tpu.matmul %convert_element_type3A_298, %convert_element_type3A_305, %dot_general3A_312 {dimension_numbers = #tpu.dot_dimension_numbers<[0], [0], [1], [1], [0, 1, 1, 1], [], []>, precision = #tpu.contract_precision<fp32>, transpose_lhs_hint = false} : vector<1280x80xf32>, vector<1280x16xf32>, vector<80x16xf32> -> vector<80x16xf32>
    %add3A_314 = arith.addf %add3A_290, %dot_general3A_313 : vector<80x16xf32>
    %slice3A_315 = vector.extract_strided_slice %add3A_23 {offsets = [0, 12], sizes = [1280, 1], strides = [1, 1]} : vector<1280x16xi32> to vector<1280x1xi32>
    %shift_right_arithmetic3A_316 = arith.constant 4 : i32
    %shift_right_arithmetic3A_317 = vector.broadcast %shift_right_arithmetic3A_316 : i32 to vector<1280x1xi32>
    %shift_right_arithmetic3A_318 = arith.shrsi %slice3A_315, %shift_right_arithmetic3A_317 : vector<1280x1xi32>
    %eq3A_319 = vector.broadcast %shift_right_arithmetic3A_318 : vector<1280x1xi32> to vector<1280x80xi32>
    %eq3A_320 = arith.cmpi eq, %eq3A_319, %iota3A_25 : vector<1280x80xi32>
    %convert_element_type3A_321 = arith.extui %eq3A_320 : vector<1280x80xi1> to vector<1280x80xi32>
    %convert_element_type3A_322 = arith.sitofp %convert_element_type3A_321 : vector<1280x80xi32> to vector<1280x80xf32>
    %and3A_323 = arith.constant 15 : i32
    %and3A_324 = vector.broadcast %and3A_323 : i32 to vector<1280x1xi32>
    %and3A_325 = arith.andi %slice3A_315, %and3A_324 : vector<1280x1xi32>
    %eq3A_326 = vector.broadcast %and3A_325 : vector<1280x1xi32> to vector<1280x16xi32>
    %eq3A_327 = arith.cmpi eq, %eq3A_326, %iota3A_26 : vector<1280x16xi32>
    %convert_element_type3A_328 = arith.extui %eq3A_327 : vector<1280x16xi1> to vector<1280x16xi32>
    %convert_element_type3A_329 = arith.sitofp %convert_element_type3A_328 : vector<1280x16xi32> to vector<1280x16xf32>
    %slice3A_330 = vector.extract_strided_slice %convert_element_type3A_24 {offsets = [0, 12], sizes = [1280, 1], strides = [1, 1]} : vector<1280x16xf32> to vector<1280x1xf32>
    %mul3A_331 = vector.broadcast %slice3A_330 : vector<1280x1xf32> to vector<1280x16xf32>
    %mul3A_332 = arith.mulf %mul3A_331, %convert_element_type3A_329 : vector<1280x16xf32>
    %dot_general3A_333 = arith.constant dense<0.000000e+00> : vector<80x16xf32>
    %dot_general3A_334 = tpu.matmul %convert_element_type3A_322, %mul3A_332, %dot_general3A_333 {dimension_numbers = #tpu.dot_dimension_numbers<[0], [0], [1], [1], [0, 1, 1, 1], [], []>, precision = #tpu.contract_precision<fp32>, transpose_lhs_hint = false} : vector<1280x80xf32>, vector<1280x16xf32>, vector<80x16xf32> -> vector<80x16xf32>
    %add3A_335 = arith.addf %add3A_311, %dot_general3A_334 : vector<80x16xf32>
    %dot_general3A_336 = arith.constant dense<0.000000e+00> : vector<80x16xf32>
    %dot_general3A_337 = tpu.matmul %convert_element_type3A_322, %convert_element_type3A_329, %dot_general3A_336 {dimension_numbers = #tpu.dot_dimension_numbers<[0], [0], [1], [1], [0, 1, 1, 1], [], []>, precision = #tpu.contract_precision<fp32>, transpose_lhs_hint = false} : vector<1280x80xf32>, vector<1280x16xf32>, vector<80x16xf32> -> vector<80x16xf32>
    %add3A_338 = arith.addf %add3A_314, %dot_general3A_337 : vector<80x16xf32>
    %slice3A_339 = vector.extract_strided_slice %add3A_23 {offsets = [0, 13], sizes = [1280, 1], strides = [1, 1]} : vector<1280x16xi32> to vector<1280x1xi32>
    %shift_right_arithmetic3A_340 = arith.constant 4 : i32
    %shift_right_arithmetic3A_341 = vector.broadcast %shift_right_arithmetic3A_340 : i32 to vector<1280x1xi32>
    %shift_right_arithmetic3A_342 = arith.shrsi %slice3A_339, %shift_right_arithmetic3A_341 : vector<1280x1xi32>
    %eq3A_343 = vector.broadcast %shift_right_arithmetic3A_342 : vector<1280x1xi32> to vector<1280x80xi32>
    %eq3A_344 = arith.cmpi eq, %eq3A_343, %iota3A_25 : vector<1280x80xi32>
    %convert_element_type3A_345 = arith.extui %eq3A_344 : vector<1280x80xi1> to vector<1280x80xi32>
    %convert_element_type3A_346 = arith.sitofp %convert_element_type3A_345 : vector<1280x80xi32> to vector<1280x80xf32>
    %and3A_347 = arith.constant 15 : i32
    %and3A_348 = vector.broadcast %and3A_347 : i32 to vector<1280x1xi32>
    %and3A_349 = arith.andi %slice3A_339, %and3A_348 : vector<1280x1xi32>
    %eq3A_350 = vector.broadcast %and3A_349 : vector<1280x1xi32> to vector<1280x16xi32>
    %eq3A_351 = arith.cmpi eq, %eq3A_350, %iota3A_26 : vector<1280x16xi32>
    %convert_element_type3A_352 = arith.extui %eq3A_351 : vector<1280x16xi1> to vector<1280x16xi32>
    %convert_element_type3A_353 = arith.sitofp %convert_element_type3A_352 : vector<1280x16xi32> to vector<1280x16xf32>
    %slice3A_354 = vector.extract_strided_slice %convert_element_type3A_24 {offsets = [0, 13], sizes = [1280, 1], strides = [1, 1]} : vector<1280x16xf32> to vector<1280x1xf32>
    %mul3A_355 = vector.broadcast %slice3A_354 : vector<1280x1xf32> to vector<1280x16xf32>
    %mul3A_356 = arith.mulf %mul3A_355, %convert_element_type3A_353 : vector<1280x16xf32>
    %dot_general3A_357 = arith.constant dense<0.000000e+00> : vector<80x16xf32>
    %dot_general3A_358 = tpu.matmul %convert_element_type3A_346, %mul3A_356, %dot_general3A_357 {dimension_numbers = #tpu.dot_dimension_numbers<[0], [0], [1], [1], [0, 1, 1, 1], [], []>, precision = #tpu.contract_precision<fp32>, transpose_lhs_hint = false} : vector<1280x80xf32>, vector<1280x16xf32>, vector<80x16xf32> -> vector<80x16xf32>
    %add3A_359 = arith.addf %add3A_335, %dot_general3A_358 : vector<80x16xf32>
    %dot_general3A_360 = arith.constant dense<0.000000e+00> : vector<80x16xf32>
    %dot_general3A_361 = tpu.matmul %convert_element_type3A_346, %convert_element_type3A_353, %dot_general3A_360 {dimension_numbers = #tpu.dot_dimension_numbers<[0], [0], [1], [1], [0, 1, 1, 1], [], []>, precision = #tpu.contract_precision<fp32>, transpose_lhs_hint = false} : vector<1280x80xf32>, vector<1280x16xf32>, vector<80x16xf32> -> vector<80x16xf32>
    %add3A_362 = arith.addf %add3A_338, %dot_general3A_361 : vector<80x16xf32>
    %slice3A_363 = vector.extract_strided_slice %add3A_23 {offsets = [0, 14], sizes = [1280, 1], strides = [1, 1]} : vector<1280x16xi32> to vector<1280x1xi32>
    %shift_right_arithmetic3A_364 = arith.constant 4 : i32
    %shift_right_arithmetic3A_365 = vector.broadcast %shift_right_arithmetic3A_364 : i32 to vector<1280x1xi32>
    %shift_right_arithmetic3A_366 = arith.shrsi %slice3A_363, %shift_right_arithmetic3A_365 : vector<1280x1xi32>
    %eq3A_367 = vector.broadcast %shift_right_arithmetic3A_366 : vector<1280x1xi32> to vector<1280x80xi32>
    %eq3A_368 = arith.cmpi eq, %eq3A_367, %iota3A_25 : vector<1280x80xi32>
    %convert_element_type3A_369 = arith.extui %eq3A_368 : vector<1280x80xi1> to vector<1280x80xi32>
    %convert_element_type3A_370 = arith.sitofp %convert_element_type3A_369 : vector<1280x80xi32> to vector<1280x80xf32>
    %and3A_371 = arith.constant 15 : i32
    %and3A_372 = vector.broadcast %and3A_371 : i32 to vector<1280x1xi32>
    %and3A_373 = arith.andi %slice3A_363, %and3A_372 : vector<1280x1xi32>
    %eq3A_374 = vector.broadcast %and3A_373 : vector<1280x1xi32> to vector<1280x16xi32>
    %eq3A_375 = arith.cmpi eq, %eq3A_374, %iota3A_26 : vector<1280x16xi32>
    %convert_element_type3A_376 = arith.extui %eq3A_375 : vector<1280x16xi1> to vector<1280x16xi32>
    %convert_element_type3A_377 = arith.sitofp %convert_element_type3A_376 : vector<1280x16xi32> to vector<1280x16xf32>
    %slice3A_378 = vector.extract_strided_slice %convert_element_type3A_24 {offsets = [0, 14], sizes = [1280, 1], strides = [1, 1]} : vector<1280x16xf32> to vector<1280x1xf32>
    %mul3A_379 = vector.broadcast %slice3A_378 : vector<1280x1xf32> to vector<1280x16xf32>
    %mul3A_380 = arith.mulf %mul3A_379, %convert_element_type3A_377 : vector<1280x16xf32>
    %dot_general3A_381 = arith.constant dense<0.000000e+00> : vector<80x16xf32>
    %dot_general3A_382 = tpu.matmul %convert_element_type3A_370, %mul3A_380, %dot_general3A_381 {dimension_numbers = #tpu.dot_dimension_numbers<[0], [0], [1], [1], [0, 1, 1, 1], [], []>, precision = #tpu.contract_precision<fp32>, transpose_lhs_hint = false} : vector<1280x80xf32>, vector<1280x16xf32>, vector<80x16xf32> -> vector<80x16xf32>
    %add3A_383 = arith.addf %add3A_359, %dot_general3A_382 : vector<80x16xf32>
    %dot_general3A_384 = arith.constant dense<0.000000e+00> : vector<80x16xf32>
    %dot_general3A_385 = tpu.matmul %convert_element_type3A_370, %convert_element_type3A_377, %dot_general3A_384 {dimension_numbers = #tpu.dot_dimension_numbers<[0], [0], [1], [1], [0, 1, 1, 1], [], []>, precision = #tpu.contract_precision<fp32>, transpose_lhs_hint = false} : vector<1280x80xf32>, vector<1280x16xf32>, vector<80x16xf32> -> vector<80x16xf32>
    %add3A_386 = arith.addf %add3A_362, %dot_general3A_385 : vector<80x16xf32>
    %slice3A_387 = vector.extract_strided_slice %add3A_23 {offsets = [0, 15], sizes = [1280, 1], strides = [1, 1]} : vector<1280x16xi32> to vector<1280x1xi32>
    %shift_right_arithmetic3A_388 = arith.constant 4 : i32
    %shift_right_arithmetic3A_389 = vector.broadcast %shift_right_arithmetic3A_388 : i32 to vector<1280x1xi32>
    %shift_right_arithmetic3A_390 = arith.shrsi %slice3A_387, %shift_right_arithmetic3A_389 : vector<1280x1xi32>
    %eq3A_391 = vector.broadcast %shift_right_arithmetic3A_390 : vector<1280x1xi32> to vector<1280x80xi32>
    %eq3A_392 = arith.cmpi eq, %eq3A_391, %iota3A_25 : vector<1280x80xi32>
    %convert_element_type3A_393 = arith.extui %eq3A_392 : vector<1280x80xi1> to vector<1280x80xi32>
    %convert_element_type3A_394 = arith.sitofp %convert_element_type3A_393 : vector<1280x80xi32> to vector<1280x80xf32>
    %and3A_395 = arith.constant 15 : i32
    %and3A_396 = vector.broadcast %and3A_395 : i32 to vector<1280x1xi32>
    %and3A_397 = arith.andi %slice3A_387, %and3A_396 : vector<1280x1xi32>
    %eq3A_398 = vector.broadcast %and3A_397 : vector<1280x1xi32> to vector<1280x16xi32>
    %eq3A_399 = arith.cmpi eq, %eq3A_398, %iota3A_26 : vector<1280x16xi32>
    %convert_element_type3A_400 = arith.extui %eq3A_399 : vector<1280x16xi1> to vector<1280x16xi32>
    %convert_element_type3A_401 = arith.sitofp %convert_element_type3A_400 : vector<1280x16xi32> to vector<1280x16xf32>
    %slice3A_402 = vector.extract_strided_slice %convert_element_type3A_24 {offsets = [0, 15], sizes = [1280, 1], strides = [1, 1]} : vector<1280x16xf32> to vector<1280x1xf32>
    %mul3A_403 = vector.broadcast %slice3A_402 : vector<1280x1xf32> to vector<1280x16xf32>
    %mul3A_404 = arith.mulf %mul3A_403, %convert_element_type3A_401 : vector<1280x16xf32>
    %dot_general3A_405 = arith.constant dense<0.000000e+00> : vector<80x16xf32>
    %dot_general3A_406 = tpu.matmul %convert_element_type3A_394, %mul3A_404, %dot_general3A_405 {dimension_numbers = #tpu.dot_dimension_numbers<[0], [0], [1], [1], [0, 1, 1, 1], [], []>, precision = #tpu.contract_precision<fp32>, transpose_lhs_hint = false} : vector<1280x80xf32>, vector<1280x16xf32>, vector<80x16xf32> -> vector<80x16xf32>
    %add3A_407 = arith.addf %add3A_383, %dot_general3A_406 : vector<80x16xf32>
    %dot_general3A_408 = arith.constant dense<0.000000e+00> : vector<80x16xf32>
    %dot_general3A_409 = tpu.matmul %convert_element_type3A_394, %convert_element_type3A_401, %dot_general3A_408 {dimension_numbers = #tpu.dot_dimension_numbers<[0], [0], [1], [1], [0, 1, 1, 1], [], []>, precision = #tpu.contract_precision<fp32>, transpose_lhs_hint = false} : vector<1280x80xf32>, vector<1280x16xf32>, vector<80x16xf32> -> vector<80x16xf32>
    %add3A_410 = arith.addf %add3A_386, %dot_general3A_409 : vector<80x16xf32>
    %sub3A_411 = arith.constant 1.000000e+00 : f32
    %sub3A_412 = vector.broadcast %sub3A_411 : f32 to vector<80x16xf32>
    %sub3A_413 = arith.subf %sub3A_412, %add3A_410 : vector<80x16xf32>
    %mul3A_414 = arith.constant 1.000000e+05 : f32
    %mul3A_415 = vector.broadcast %mul3A_414 : f32 to vector<80x16xf32>
    %mul3A_416 = arith.mulf %mul3A_415, %sub3A_413 : vector<80x16xf32>
    %add3A_417 = arith.addf %add3A_407, %mul3A_416 : vector<80x16xf32>
    %convert_element_type3A_418 = arith.fptosi %add3A_417 : vector<80x16xf32> to vector<80x16xi32>
    %reshape3A = vector.shape_cast %convert_element_type3A_418 : vector<80x16xi32> to vector<1x80x16xi32>
    %swap3A = arith.constant 0 : index
    %swap3A_419 = arith.constant 0 : index
    %swap3A_420 = arith.constant 0 : index
    %swap3A_421 = vector.load %arg2[%swap3A, %swap3A_419, %swap3A_420] : memref<1x80x16xi32, #tpu.memory_space<vmem>>, vector<1x80x16xi32>
    tpu.vector_store %arg2[%swap3A, %swap3A_419, %swap3A_420], %reshape3A {strides = array<i32>} : memref<1x80x16xi32, #tpu.memory_space<vmem>>, vector<1x80x16xi32>,
    return
  }
  func.func @transform_0(%arg0: i32) -> (i32, i32, i32) {
    %c0_i32 = arith.constant 0 : i32
    %c0_i32_0 = arith.constant 0 : i32
    %c0_i32_1 = arith.constant 0 : i32
    return %arg0, %c0_i32, %c0_i32_0 : i32, i32, i32
  }
  func.func @transform_1(%arg0: i32) -> (i32, i32, i32) {
    %c0_i32 = arith.constant 0 : i32
    %c0_i32_0 = arith.constant 0 : i32
    %c0_i32_1 = arith.constant 0 : i32
    return %arg0, %c0_i32, %c0_i32_0 : i32, i32, i32
  }
}

module attributes {stable_mosaic.version = 14 : i64} {
  func.func @_pass_d_body(%arg0: i32, %arg1: memref<64xi32, #tpu.memory_space<smem>>, %arg2: memref<1x64x1280xf32, #tpu.memory_space<vmem>>, %arg3: memref<1x1x1280xi32, #tpu.memory_space<vmem>>, %arg4: memref<1x64x128xf32, #tpu.memory_space<vmem>>, %arg5: memref<1x1x64xi32, #tpu.memory_space<vmem>>, %arg6: memref<32x64xf32, #tpu.memory_space<vmem>>, %arg7: memref<1x1x64xi32, #tpu.memory_space<vmem>>, %arg8: memref<1x1xf32, #tpu.memory_space<vmem>>) attributes {dimension_semantics = [#tpu.dimension_semantics<arbitrary>], iteration_bounds = array<i64: 30>, scalar_prefetch = 1 : i64, scratch_operands = 0 : i64, tpu.core_type = #tpu.core_type<tc>, window_params = [{transform_indices = @transform_0, window_bounds = array<i64: 1, 64, 1280>}, {transform_indices = @transform_1, window_bounds = array<i64: 1, 1, 1280>}, {transform_indices = @transform_2, window_bounds = array<i64: 1, 64, 128>}, {transform_indices = @transform_3, window_bounds = array<i64: 1, 1, 64>}, {pipeline_mode = #tpu.pipeline_mode<synchronous>, transform_indices = @transform_4, window_bounds = array<i64: 32, 64>}, {transform_indices = @transform_5, window_bounds = array<i64: 1, 1, 64>}, {pipeline_mode = #tpu.pipeline_mode<synchronous>, transform_indices = @transform_6, window_bounds = array<i64: 1, 1>}]} {
    %get3A = arith.constant 0 : index
    %get3A_0 = arith.constant 0 : index
    %get3A_1 = arith.constant 0 : index
    %get3A_2 = vector.load %arg3[%get3A, %get3A_0, %get3A_1] : memref<1x1x1280xi32, #tpu.memory_space<vmem>>, vector<1x1x1280xi32>
    %get3A_3 = vector.shape_cast %get3A_2 : vector<1x1x1280xi32> to vector<1x1280xi32>
    %iota3A = tpu.iota {dimensions = array<i32: 0>} : vector<64x1280xi32>
    %mul3A = arith.constant 100000 : i32
    %mul3A_4 = vector.broadcast %mul3A : i32 to vector<64x1280xi32>
    %mul3A_5 = arith.muli %iota3A, %mul3A_4 : vector<64x1280xi32>
    %add3A = vector.broadcast %get3A_3 : vector<1x1280xi32> to vector<64x1280xi32>
    %add3A_6 = arith.addi %mul3A_5, %add3A : vector<64x1280xi32>
    %mul3A_7 = arith.constant 2 : i32
    %mul3A_8 = arith.muli %mul3A_7, %arg0 : i32
    %get3A_9 = arith.index_cast %mul3A_8 : i32 to index
    %get3A_10 = memref.load %arg1[%get3A_9] : memref<64xi32, #tpu.memory_space<smem>>
    %mul3A_11 = arith.constant 2 : i32
    %mul3A_12 = arith.muli %mul3A_11, %arg0 : i32
    %add3A_13 = arith.constant 1 : i32
    %add3A_14 = arith.addi %mul3A_12, %add3A_13 : i32
    %get3A_15 = arith.index_cast %add3A_14 : i32 to index
    %get3A_16 = memref.load %arg1[%get3A_15] : memref<64xi32, #tpu.memory_space<smem>>
    %broadcast_in_dim3A = arith.constant 0 : i32
    %broadcast_in_dim3A_17 = vector.broadcast %broadcast_in_dim3A : i32 to vector<64x1280xi32>
    %xor3A = arith.xori %get3A_10, %get3A_16 : i32
    %xor3A_18 = arith.constant 466688986 : i32
    %xor3A_19 = arith.xori %xor3A, %xor3A_18 : i32
    %add3A_20 = vector.broadcast %get3A_10 : i32 to vector<64x1280xi32>
    %add3A_21 = arith.addi %broadcast_in_dim3A_17, %add3A_20 : vector<64x1280xi32>
    %add3A_22 = vector.broadcast %get3A_16 : i32 to vector<64x1280xi32>
    %add3A_23 = arith.addi %add3A_6, %add3A_22 : vector<64x1280xi32>
    %add3A_24 = arith.addi %add3A_21, %add3A_23 : vector<64x1280xi32>
    %shift_left3A = arith.constant 13 : i32
    %shift_left3A_25 = vector.broadcast %shift_left3A : i32 to vector<64x1280xi32>
    %shift_left3A_26 = arith.shli %add3A_23, %shift_left3A_25 : vector<64x1280xi32>
    %shift_right_logical3A = arith.constant 19 : i32
    %shift_right_logical3A_27 = vector.broadcast %shift_right_logical3A : i32 to vector<64x1280xi32>
    %shift_right_logical3A_28 = arith.shrui %add3A_23, %shift_right_logical3A_27 : vector<64x1280xi32>
    %or3A = arith.ori %shift_left3A_26, %shift_right_logical3A_28 : vector<64x1280xi32>
    %xor3A_29 = arith.xori %add3A_24, %or3A : vector<64x1280xi32>
    %add3A_30 = arith.addi %add3A_24, %xor3A_29 : vector<64x1280xi32>
    %shift_left3A_31 = arith.constant 15 : i32
    %shift_left3A_32 = vector.broadcast %shift_left3A_31 : i32 to vector<64x1280xi32>
    %shift_left3A_33 = arith.shli %xor3A_29, %shift_left3A_32 : vector<64x1280xi32>
    %shift_right_logical3A_34 = arith.constant 17 : i32
    %shift_right_logical3A_35 = vector.broadcast %shift_right_logical3A_34 : i32 to vector<64x1280xi32>
    %shift_right_logical3A_36 = arith.shrui %xor3A_29, %shift_right_logical3A_35 : vector<64x1280xi32>
    %or3A_37 = arith.ori %shift_left3A_33, %shift_right_logical3A_36 : vector<64x1280xi32>
    %xor3A_38 = arith.xori %add3A_30, %or3A_37 : vector<64x1280xi32>
    %add3A_39 = arith.addi %add3A_30, %xor3A_38 : vector<64x1280xi32>
    %shift_left3A_40 = arith.constant 26 : i32
    %shift_left3A_41 = vector.broadcast %shift_left3A_40 : i32 to vector<64x1280xi32>
    %shift_left3A_42 = arith.shli %xor3A_38, %shift_left3A_41 : vector<64x1280xi32>
    %shift_right_logical3A_43 = arith.constant 6 : i32
    %shift_right_logical3A_44 = vector.broadcast %shift_right_logical3A_43 : i32 to vector<64x1280xi32>
    %shift_right_logical3A_45 = arith.shrui %xor3A_38, %shift_right_logical3A_44 : vector<64x1280xi32>
    %or3A_46 = arith.ori %shift_left3A_42, %shift_right_logical3A_45 : vector<64x1280xi32>
    %xor3A_47 = arith.xori %add3A_39, %or3A_46 : vector<64x1280xi32>
    %add3A_48 = arith.addi %add3A_39, %xor3A_47 : vector<64x1280xi32>
    %shift_left3A_49 = arith.constant 6 : i32
    %shift_left3A_50 = vector.broadcast %shift_left3A_49 : i32 to vector<64x1280xi32>
    %shift_left3A_51 = arith.shli %xor3A_47, %shift_left3A_50 : vector<64x1280xi32>
    %shift_right_logical3A_52 = arith.constant 26 : i32
    %shift_right_logical3A_53 = vector.broadcast %shift_right_logical3A_52 : i32 to vector<64x1280xi32>
    %shift_right_logical3A_54 = arith.shrui %xor3A_47, %shift_right_logical3A_53 : vector<64x1280xi32>
    %or3A_55 = arith.ori %shift_left3A_51, %shift_right_logical3A_54 : vector<64x1280xi32>
    %xor3A_56 = arith.xori %add3A_48, %or3A_55 : vector<64x1280xi32>
    %add3A_57 = vector.broadcast %get3A_16 : i32 to vector<64x1280xi32>
    %add3A_58 = arith.addi %add3A_48, %add3A_57 : vector<64x1280xi32>
    %add3A_59 = vector.broadcast %xor3A_19 : i32 to vector<64x1280xi32>
    %add3A_60 = arith.addi %xor3A_56, %add3A_59 : vector<64x1280xi32>
    %add3A_61 = arith.constant 1 : i32
    %add3A_62 = vector.broadcast %add3A_61 : i32 to vector<64x1280xi32>
    %add3A_63 = arith.addi %add3A_60, %add3A_62 : vector<64x1280xi32>
    %add3A_64 = arith.addi %add3A_58, %add3A_63 : vector<64x1280xi32>
    %shift_left3A_65 = arith.constant 17 : i32
    %shift_left3A_66 = vector.broadcast %shift_left3A_65 : i32 to vector<64x1280xi32>
    %shift_left3A_67 = arith.shli %add3A_63, %shift_left3A_66 : vector<64x1280xi32>
    %shift_right_logical3A_68 = arith.constant 15 : i32
    %shift_right_logical3A_69 = vector.broadcast %shift_right_logical3A_68 : i32 to vector<64x1280xi32>
    %shift_right_logical3A_70 = arith.shrui %add3A_63, %shift_right_logical3A_69 : vector<64x1280xi32>
    %or3A_71 = arith.ori %shift_left3A_67, %shift_right_logical3A_70 : vector<64x1280xi32>
    %xor3A_72 = arith.xori %add3A_64, %or3A_71 : vector<64x1280xi32>
    %add3A_73 = arith.addi %add3A_64, %xor3A_72 : vector<64x1280xi32>
    %shift_left3A_74 = arith.constant 29 : i32
    %shift_left3A_75 = vector.broadcast %shift_left3A_74 : i32 to vector<64x1280xi32>
    %shift_left3A_76 = arith.shli %xor3A_72, %shift_left3A_75 : vector<64x1280xi32>
    %shift_right_logical3A_77 = arith.constant 3 : i32
    %shift_right_logical3A_78 = vector.broadcast %shift_right_logical3A_77 : i32 to vector<64x1280xi32>
    %shift_right_logical3A_79 = arith.shrui %xor3A_72, %shift_right_logical3A_78 : vector<64x1280xi32>
    %or3A_80 = arith.ori %shift_left3A_76, %shift_right_logical3A_79 : vector<64x1280xi32>
    %xor3A_81 = arith.xori %add3A_73, %or3A_80 : vector<64x1280xi32>
    %add3A_82 = arith.addi %add3A_73, %xor3A_81 : vector<64x1280xi32>
    %shift_left3A_83 = arith.constant 16 : i32
    %shift_left3A_84 = vector.broadcast %shift_left3A_83 : i32 to vector<64x1280xi32>
    %shift_left3A_85 = arith.shli %xor3A_81, %shift_left3A_84 : vector<64x1280xi32>
    %shift_right_logical3A_86 = arith.constant 16 : i32
    %shift_right_logical3A_87 = vector.broadcast %shift_right_logical3A_86 : i32 to vector<64x1280xi32>
    %shift_right_logical3A_88 = arith.shrui %xor3A_81, %shift_right_logical3A_87 : vector<64x1280xi32>
    %or3A_89 = arith.ori %shift_left3A_85, %shift_right_logical3A_88 : vector<64x1280xi32>
    %xor3A_90 = arith.xori %add3A_82, %or3A_89 : vector<64x1280xi32>
    %add3A_91 = arith.addi %add3A_82, %xor3A_90 : vector<64x1280xi32>
    %shift_left3A_92 = arith.constant 24 : i32
    %shift_left3A_93 = vector.broadcast %shift_left3A_92 : i32 to vector<64x1280xi32>
    %shift_left3A_94 = arith.shli %xor3A_90, %shift_left3A_93 : vector<64x1280xi32>
    %shift_right_logical3A_95 = arith.constant 8 : i32
    %shift_right_logical3A_96 = vector.broadcast %shift_right_logical3A_95 : i32 to vector<64x1280xi32>
    %shift_right_logical3A_97 = arith.shrui %xor3A_90, %shift_right_logical3A_96 : vector<64x1280xi32>
    %or3A_98 = arith.ori %shift_left3A_94, %shift_right_logical3A_97 : vector<64x1280xi32>
    %xor3A_99 = arith.xori %add3A_91, %or3A_98 : vector<64x1280xi32>
    %add3A_100 = vector.broadcast %xor3A_19 : i32 to vector<64x1280xi32>
    %add3A_101 = arith.addi %add3A_91, %add3A_100 : vector<64x1280xi32>
    %add3A_102 = vector.broadcast %get3A_10 : i32 to vector<64x1280xi32>
    %add3A_103 = arith.addi %xor3A_99, %add3A_102 : vector<64x1280xi32>
    %add3A_104 = arith.constant 2 : i32
    %add3A_105 = vector.broadcast %add3A_104 : i32 to vector<64x1280xi32>
    %add3A_106 = arith.addi %add3A_103, %add3A_105 : vector<64x1280xi32>
    %add3A_107 = arith.addi %add3A_101, %add3A_106 : vector<64x1280xi32>
    %shift_left3A_108 = arith.constant 13 : i32
    %shift_left3A_109 = vector.broadcast %shift_left3A_108 : i32 to vector<64x1280xi32>
    %shift_left3A_110 = arith.shli %add3A_106, %shift_left3A_109 : vector<64x1280xi32>
    %shift_right_logical3A_111 = arith.constant 19 : i32
    %shift_right_logical3A_112 = vector.broadcast %shift_right_logical3A_111 : i32 to vector<64x1280xi32>
    %shift_right_logical3A_113 = arith.shrui %add3A_106, %shift_right_logical3A_112 : vector<64x1280xi32>
    %or3A_114 = arith.ori %shift_left3A_110, %shift_right_logical3A_113 : vector<64x1280xi32>
    %xor3A_115 = arith.xori %add3A_107, %or3A_114 : vector<64x1280xi32>
    %add3A_116 = arith.addi %add3A_107, %xor3A_115 : vector<64x1280xi32>
    %shift_left3A_117 = arith.constant 15 : i32
    %shift_left3A_118 = vector.broadcast %shift_left3A_117 : i32 to vector<64x1280xi32>
    %shift_left3A_119 = arith.shli %xor3A_115, %shift_left3A_118 : vector<64x1280xi32>
    %shift_right_logical3A_120 = arith.constant 17 : i32
    %shift_right_logical3A_121 = vector.broadcast %shift_right_logical3A_120 : i32 to vector<64x1280xi32>
    %shift_right_logical3A_122 = arith.shrui %xor3A_115, %shift_right_logical3A_121 : vector<64x1280xi32>
    %or3A_123 = arith.ori %shift_left3A_119, %shift_right_logical3A_122 : vector<64x1280xi32>
    %xor3A_124 = arith.xori %add3A_116, %or3A_123 : vector<64x1280xi32>
    %add3A_125 = arith.addi %add3A_116, %xor3A_124 : vector<64x1280xi32>
    %shift_left3A_126 = arith.constant 26 : i32
    %shift_left3A_127 = vector.broadcast %shift_left3A_126 : i32 to vector<64x1280xi32>
    %shift_left3A_128 = arith.shli %xor3A_124, %shift_left3A_127 : vector<64x1280xi32>
    %shift_right_logical3A_129 = arith.constant 6 : i32
    %shift_right_logical3A_130 = vector.broadcast %shift_right_logical3A_129 : i32 to vector<64x1280xi32>
    %shift_right_logical3A_131 = arith.shrui %xor3A_124, %shift_right_logical3A_130 : vector<64x1280xi32>
    %or3A_132 = arith.ori %shift_left3A_128, %shift_right_logical3A_131 : vector<64x1280xi32>
    %xor3A_133 = arith.xori %add3A_125, %or3A_132 : vector<64x1280xi32>
    %add3A_134 = arith.addi %add3A_125, %xor3A_133 : vector<64x1280xi32>
    %shift_left3A_135 = arith.constant 6 : i32
    %shift_left3A_136 = vector.broadcast %shift_left3A_135 : i32 to vector<64x1280xi32>
    %shift_left3A_137 = arith.shli %xor3A_133, %shift_left3A_136 : vector<64x1280xi32>
    %shift_right_logical3A_138 = arith.constant 26 : i32
    %shift_right_logical3A_139 = vector.broadcast %shift_right_logical3A_138 : i32 to vector<64x1280xi32>
    %shift_right_logical3A_140 = arith.shrui %xor3A_133, %shift_right_logical3A_139 : vector<64x1280xi32>
    %or3A_141 = arith.ori %shift_left3A_137, %shift_right_logical3A_140 : vector<64x1280xi32>
    %xor3A_142 = arith.xori %add3A_134, %or3A_141 : vector<64x1280xi32>
    %add3A_143 = vector.broadcast %get3A_10 : i32 to vector<64x1280xi32>
    %add3A_144 = arith.addi %add3A_134, %add3A_143 : vector<64x1280xi32>
    %add3A_145 = vector.broadcast %get3A_16 : i32 to vector<64x1280xi32>
    %add3A_146 = arith.addi %xor3A_142, %add3A_145 : vector<64x1280xi32>
    %add3A_147 = arith.constant 3 : i32
    %add3A_148 = vector.broadcast %add3A_147 : i32 to vector<64x1280xi32>
    %add3A_149 = arith.addi %add3A_146, %add3A_148 : vector<64x1280xi32>
    %add3A_150 = arith.addi %add3A_144, %add3A_149 : vector<64x1280xi32>
    %shift_left3A_151 = arith.constant 17 : i32
    %shift_left3A_152 = vector.broadcast %shift_left3A_151 : i32 to vector<64x1280xi32>
    %shift_left3A_153 = arith.shli %add3A_149, %shift_left3A_152 : vector<64x1280xi32>
    %shift_right_logical3A_154 = arith.constant 15 : i32
    %shift_right_logical3A_155 = vector.broadcast %shift_right_logical3A_154 : i32 to vector<64x1280xi32>
    %shift_right_logical3A_156 = arith.shrui %add3A_149, %shift_right_logical3A_155 : vector<64x1280xi32>
    %or3A_157 = arith.ori %shift_left3A_153, %shift_right_logical3A_156 : vector<64x1280xi32>
    %xor3A_158 = arith.xori %add3A_150, %or3A_157 : vector<64x1280xi32>
    %add3A_159 = arith.addi %add3A_150, %xor3A_158 : vector<64x1280xi32>
    %shift_left3A_160 = arith.constant 29 : i32
    %shift_left3A_161 = vector.broadcast %shift_left3A_160 : i32 to vector<64x1280xi32>
    %shift_left3A_162 = arith.shli %xor3A_158, %shift_left3A_161 : vector<64x1280xi32>
    %shift_right_logical3A_163 = arith.constant 3 : i32
    %shift_right_logical3A_164 = vector.broadcast %shift_right_logical3A_163 : i32 to vector<64x1280xi32>
    %shift_right_logical3A_165 = arith.shrui %xor3A_158, %shift_right_logical3A_164 : vector<64x1280xi32>
    %or3A_166 = arith.ori %shift_left3A_162, %shift_right_logical3A_165 : vector<64x1280xi32>
    %xor3A_167 = arith.xori %add3A_159, %or3A_166 : vector<64x1280xi32>
    %add3A_168 = arith.addi %add3A_159, %xor3A_167 : vector<64x1280xi32>
    %shift_left3A_169 = arith.constant 16 : i32
    %shift_left3A_170 = vector.broadcast %shift_left3A_169 : i32 to vector<64x1280xi32>
    %shift_left3A_171 = arith.shli %xor3A_167, %shift_left3A_170 : vector<64x1280xi32>
    %shift_right_logical3A_172 = arith.constant 16 : i32
    %shift_right_logical3A_173 = vector.broadcast %shift_right_logical3A_172 : i32 to vector<64x1280xi32>
    %shift_right_logical3A_174 = arith.shrui %xor3A_167, %shift_right_logical3A_173 : vector<64x1280xi32>
    %or3A_175 = arith.ori %shift_left3A_171, %shift_right_logical3A_174 : vector<64x1280xi32>
    %xor3A_176 = arith.xori %add3A_168, %or3A_175 : vector<64x1280xi32>
    %add3A_177 = arith.addi %add3A_168, %xor3A_176 : vector<64x1280xi32>
    %shift_left3A_178 = arith.constant 24 : i32
    %shift_left3A_179 = vector.broadcast %shift_left3A_178 : i32 to vector<64x1280xi32>
    %shift_left3A_180 = arith.shli %xor3A_176, %shift_left3A_179 : vector<64x1280xi32>
    %shift_right_logical3A_181 = arith.constant 8 : i32
    %shift_right_logical3A_182 = vector.broadcast %shift_right_logical3A_181 : i32 to vector<64x1280xi32>
    %shift_right_logical3A_183 = arith.shrui %xor3A_176, %shift_right_logical3A_182 : vector<64x1280xi32>
    %or3A_184 = arith.ori %shift_left3A_180, %shift_right_logical3A_183 : vector<64x1280xi32>
    %xor3A_185 = arith.xori %add3A_177, %or3A_184 : vector<64x1280xi32>
    %add3A_186 = vector.broadcast %get3A_16 : i32 to vector<64x1280xi32>
    %add3A_187 = arith.addi %add3A_177, %add3A_186 : vector<64x1280xi32>
    %add3A_188 = vector.broadcast %xor3A_19 : i32 to vector<64x1280xi32>
    %add3A_189 = arith.addi %xor3A_185, %add3A_188 : vector<64x1280xi32>
    %add3A_190 = arith.constant 4 : i32
    %add3A_191 = vector.broadcast %add3A_190 : i32 to vector<64x1280xi32>
    %add3A_192 = arith.addi %add3A_189, %add3A_191 : vector<64x1280xi32>
    %add3A_193 = arith.addi %add3A_187, %add3A_192 : vector<64x1280xi32>
    %shift_left3A_194 = arith.constant 13 : i32
    %shift_left3A_195 = vector.broadcast %shift_left3A_194 : i32 to vector<64x1280xi32>
    %shift_left3A_196 = arith.shli %add3A_192, %shift_left3A_195 : vector<64x1280xi32>
    %shift_right_logical3A_197 = arith.constant 19 : i32
    %shift_right_logical3A_198 = vector.broadcast %shift_right_logical3A_197 : i32 to vector<64x1280xi32>
    %shift_right_logical3A_199 = arith.shrui %add3A_192, %shift_right_logical3A_198 : vector<64x1280xi32>
    %or3A_200 = arith.ori %shift_left3A_196, %shift_right_logical3A_199 : vector<64x1280xi32>
    %xor3A_201 = arith.xori %add3A_193, %or3A_200 : vector<64x1280xi32>
    %add3A_202 = arith.addi %add3A_193, %xor3A_201 : vector<64x1280xi32>
    %shift_left3A_203 = arith.constant 15 : i32
    %shift_left3A_204 = vector.broadcast %shift_left3A_203 : i32 to vector<64x1280xi32>
    %shift_left3A_205 = arith.shli %xor3A_201, %shift_left3A_204 : vector<64x1280xi32>
    %shift_right_logical3A_206 = arith.constant 17 : i32
    %shift_right_logical3A_207 = vector.broadcast %shift_right_logical3A_206 : i32 to vector<64x1280xi32>
    %shift_right_logical3A_208 = arith.shrui %xor3A_201, %shift_right_logical3A_207 : vector<64x1280xi32>
    %or3A_209 = arith.ori %shift_left3A_205, %shift_right_logical3A_208 : vector<64x1280xi32>
    %xor3A_210 = arith.xori %add3A_202, %or3A_209 : vector<64x1280xi32>
    %add3A_211 = arith.addi %add3A_202, %xor3A_210 : vector<64x1280xi32>
    %shift_left3A_212 = arith.constant 26 : i32
    %shift_left3A_213 = vector.broadcast %shift_left3A_212 : i32 to vector<64x1280xi32>
    %shift_left3A_214 = arith.shli %xor3A_210, %shift_left3A_213 : vector<64x1280xi32>
    %shift_right_logical3A_215 = arith.constant 6 : i32
    %shift_right_logical3A_216 = vector.broadcast %shift_right_logical3A_215 : i32 to vector<64x1280xi32>
    %shift_right_logical3A_217 = arith.shrui %xor3A_210, %shift_right_logical3A_216 : vector<64x1280xi32>
    %or3A_218 = arith.ori %shift_left3A_214, %shift_right_logical3A_217 : vector<64x1280xi32>
    %xor3A_219 = arith.xori %add3A_211, %or3A_218 : vector<64x1280xi32>
    %add3A_220 = arith.addi %add3A_211, %xor3A_219 : vector<64x1280xi32>
    %shift_left3A_221 = arith.constant 6 : i32
    %shift_left3A_222 = vector.broadcast %shift_left3A_221 : i32 to vector<64x1280xi32>
    %shift_left3A_223 = arith.shli %xor3A_219, %shift_left3A_222 : vector<64x1280xi32>
    %shift_right_logical3A_224 = arith.constant 26 : i32
    %shift_right_logical3A_225 = vector.broadcast %shift_right_logical3A_224 : i32 to vector<64x1280xi32>
    %shift_right_logical3A_226 = arith.shrui %xor3A_219, %shift_right_logical3A_225 : vector<64x1280xi32>
    %or3A_227 = arith.ori %shift_left3A_223, %shift_right_logical3A_226 : vector<64x1280xi32>
    %xor3A_228 = arith.xori %add3A_220, %or3A_227 : vector<64x1280xi32>
    %add3A_229 = vector.broadcast %xor3A_19 : i32 to vector<64x1280xi32>
    %add3A_230 = arith.addi %add3A_220, %add3A_229 : vector<64x1280xi32>
    %add3A_231 = vector.broadcast %get3A_10 : i32 to vector<64x1280xi32>
    %add3A_232 = arith.addi %xor3A_228, %add3A_231 : vector<64x1280xi32>
    %add3A_233 = arith.constant 5 : i32
    %add3A_234 = vector.broadcast %add3A_233 : i32 to vector<64x1280xi32>
    %add3A_235 = arith.addi %add3A_232, %add3A_234 : vector<64x1280xi32>
    %xor3A_236 = arith.xori %add3A_230, %add3A_235 : vector<64x1280xi32>
    %shift_right_logical3A_237 = arith.constant 9 : i32
    %shift_right_logical3A_238 = vector.broadcast %shift_right_logical3A_237 : i32 to vector<64x1280xi32>
    %shift_right_logical3A_239 = arith.shrui %xor3A_236, %shift_right_logical3A_238 : vector<64x1280xi32>
    %or3A_240 = arith.constant 1065353216 : i32
    %or3A_241 = vector.broadcast %or3A_240 : i32 to vector<64x1280xi32>
    %or3A_242 = arith.ori %shift_right_logical3A_239, %or3A_241 : vector<64x1280xi32>
    %bitcast_convert_type3A = tpu.bitcast %or3A_242 : vector<64x1280xi32> -> vector<64x1280xf32>
    %sub3A = arith.constant 1.000000e+00 : f32
    %sub3A_243 = vector.broadcast %sub3A : f32 to vector<64x1280xf32>
    %sub3A_244 = arith.subf %bitcast_convert_type3A, %sub3A_243 : vector<64x1280xf32>
    %add3A_245 = arith.constant 1.17549435E-38 : f32
    %add3A_246 = vector.broadcast %add3A_245 : f32 to vector<64x1280xf32>
    %add3A_247 = arith.addf %sub3A_244, %add3A_246 : vector<64x1280xf32>
    %max3A = arith.constant 1.17549435E-38 : f32
    %max3A_248 = vector.broadcast %max3A : f32 to vector<64x1280xf32>
    %max3A_249 = arith.maximumf %max3A_248, %add3A_247 : vector<64x1280xf32>
    %log3A = math.log %max3A_249 : vector<64x1280xf32>
    %neg3A = arith.constant 0.000000e+00 : f32
    %neg3A_250 = vector.broadcast %neg3A : f32 to vector<64x1280xf32>
    %neg3A_251 = arith.subf %neg3A_250, %log3A : vector<64x1280xf32>
    %log3A_252 = math.log %neg3A_251 : vector<64x1280xf32>
    %neg3A_253 = arith.constant 0.000000e+00 : f32
    %neg3A_254 = vector.broadcast %neg3A_253 : f32 to vector<64x1280xf32>
    %neg3A_255 = arith.subf %neg3A_254, %log3A_252 : vector<64x1280xf32>
    %get3A_256 = arith.constant 0 : index
    %get3A_257 = arith.constant 0 : index
    %get3A_258 = arith.constant 0 : index
    %get3A_259 = vector.load %arg2[%get3A_256, %get3A_257, %get3A_258] : memref<1x64x1280xf32, #tpu.memory_space<vmem>>, vector<1x64x1280xf32>
    %get3A_260 = vector.shape_cast %get3A_259 : vector<1x64x1280xf32> to vector<64x1280xf32>
    %add3A_261 = arith.addf %get3A_260, %neg3A_255 : vector<64x1280xf32>
    %reduce_max3A = arith.constant dense<0xFF800000> : vector<64xf32>
    %reduce_max3A_262 = vector.multi_reduction <maximumf>, %add3A_261, %reduce_max3A [1] : vector<64x1280xf32> to vector<64xf32>
    %broadcast_in_dim3A_263 = vector.shape_cast %reduce_max3A_262 : vector<64xf32> to vector<64x1xf32>
    %iota3A_264 = tpu.iota {dimensions = array<i32: 1>} : vector<64x1280xi32>
    %eq3A = vector.broadcast %broadcast_in_dim3A_263 : vector<64x1xf32> to vector<64x1280xf32>
    %eq3A_265 = arith.cmpf oeq, %add3A_261, %eq3A : vector<64x1280xf32>
    %jit3A = arith.constant 2147483647 : i32
    %broadcast_in_dim3A_266 = vector.broadcast %jit3A : i32 to vector<64x1280xi32>
    %select_n3A = arith.select %eq3A_265, %iota3A_264, %broadcast_in_dim3A_266 : vector<64x1280xi1>, vector<64x1280xi32>
    %reduce_min3A = arith.constant dense<2147483647> : vector<64xi32>
    %reduce_min3A_267 = vector.multi_reduction <minsi>, %select_n3A, %reduce_min3A [1] : vector<64x1280xi32> to vector<64xi32>
    %broadcast_in_dim3A_268 = vector.shape_cast %reduce_min3A_267 : vector<64xi32> to vector<64x1xi32>
    %eq3A_269 = vector.broadcast %broadcast_in_dim3A_268 : vector<64x1xi32> to vector<64x1280xi32>
    %eq3A_270 = arith.cmpi eq, %iota3A_264, %eq3A_269 : vector<64x1280xi32>
    %broadcast_in_dim3A_271 = vector.shape_cast %get3A_3 : vector<1x1280xi32> to vector<1x1280xi32>
    %broadcast_in_dim3A_272 = vector.broadcast %broadcast_in_dim3A_271 : vector<1x1280xi32> to vector<64x1280xi32>
    %jit3A_273 = arith.constant 0 : i32
    %broadcast_in_dim3A_274 = vector.broadcast %jit3A_273 : i32 to vector<64x1280xi32>
    %select_n3A_275 = arith.select %eq3A_270, %broadcast_in_dim3A_272, %broadcast_in_dim3A_274 : vector<64x1280xi1>, vector<64x1280xi32>
    %reduce_sum3A = arith.constant dense<0> : vector<64xi32>
    %reduce_sum3A_276 = vector.multi_reduction <add>, %select_n3A_275, %reduce_sum3A [1] : vector<64x1280xi32> to vector<64xi32>
    %reshape3A = vector.shape_cast %reduce_sum3A_276 : vector<64xi32> to vector<1x1x64xi32>
    %swap3A = arith.constant 0 : index
    %swap3A_277 = arith.constant 0 : index
    %swap3A_278 = arith.constant 0 : index
    %swap3A_279 = vector.load %arg7[%swap3A, %swap3A_277, %swap3A_278] : memref<1x1x64xi32, #tpu.memory_space<vmem>>, vector<1x1x64xi32>
    tpu.vector_store %arg7[%swap3A, %swap3A_277, %swap3A_278], %reshape3A {strides = array<i32>} : memref<1x1x64xi32, #tpu.memory_space<vmem>>, vector<1x1x64xi32>,
    %iota3A_280 = tpu.iota {dimensions = array<i32: 1>} : vector<64x128xi32>
    %iota3A_281 = tpu.iota {dimensions = array<i32: 0>} : vector<64x128xi32>
    %eq3A_282 = arith.cmpi eq, %iota3A_280, %iota3A_281 : vector<64x128xi32>
    %get3A_283 = arith.constant 0 : index
    %get3A_284 = arith.constant 0 : index
    %get3A_285 = arith.constant 0 : index
    %get3A_286 = vector.load %arg4[%get3A_283, %get3A_284, %get3A_285] : memref<1x64x128xf32, #tpu.memory_space<vmem>>, vector<1x64x128xf32>
    %get3A_287 = vector.shape_cast %get3A_286 : vector<1x64x128xf32> to vector<64x128xf32>
    %jit3A_288 = arith.constant 0.000000e+00 : f32
    %broadcast_in_dim3A_289 = vector.broadcast %jit3A_288 : f32 to vector<64x128xf32>
    %select_n3A_290 = arith.select %eq3A_282, %get3A_287, %broadcast_in_dim3A_289 : vector<64x128xi1>, vector<64x128xf32>
    %reduce_sum3A_291 = arith.constant dense<0.000000e+00> : vector<64xf32>
    %reduce_sum3A_292 = vector.multi_reduction <add>, %select_n3A_290, %reduce_sum3A_291 [1] : vector<64x128xf32> to vector<64xf32>
    %get3A_293 = arith.constant 0 : index
    %get3A_294 = arith.constant 0 : index
    %get3A_295 = arith.constant 0 : index
    %get3A_296 = vector.load %arg5[%get3A_293, %get3A_294, %get3A_295] : memref<1x1x64xi32, #tpu.memory_space<vmem>>, vector<1x1x64xi32>
    %get3A_297 = vector.shape_cast %get3A_296 : vector<1x1x64xi32> to vector<64xi32>
    %broadcast_in_dim3A_298 = vector.shape_cast %get3A_3 : vector<1x1280xi32> to vector<1x1280xi32>
    %broadcast_in_dim3A_299 = vector.broadcast %broadcast_in_dim3A_298 : vector<1x1280xi32> to vector<64x1280xi32>
    %broadcast_in_dim3A_300 = vector.shape_cast %get3A_297 : vector<64xi32> to vector<64x1xi32>
    %eq3A_301 = vector.broadcast %broadcast_in_dim3A_300 : vector<64x1xi32> to vector<64x1280xi32>
    %eq3A_302 = arith.cmpi eq, %broadcast_in_dim3A_299, %eq3A_301 : vector<64x1280xi32>
    %convert_element_type3A = arith.extui %eq3A_302 : vector<64x1280xi1> to vector<64x1280xi32>
    %reduce_sum3A_303 = arith.constant dense<0> : vector<64xi32>
    %reduce_sum3A_304 = vector.multi_reduction <add>, %convert_element_type3A, %reduce_sum3A_303 [1] : vector<64x1280xi32> to vector<64xi32>
    %gt3A = arith.constant 0 : i32
    %gt3A_305 = vector.broadcast %gt3A : i32 to vector<64xi32>
    %gt3A_306 = arith.cmpi sgt, %reduce_sum3A_304, %gt3A_305 : vector<64xi32>
    %jit3A_307 = arith.constant 0.000000e+00 : f32
    %jit3A_308 = arith.constant -3.000000e+01 : f32
    %broadcast_in_dim3A_309 = vector.broadcast %jit3A_307 : f32 to vector<64xf32>
    %broadcast_in_dim3A_310 = vector.broadcast %jit3A_308 : f32 to vector<64xf32>
    %select_n3A_311 = arith.select %gt3A_306, %broadcast_in_dim3A_309, %broadcast_in_dim3A_310 : vector<64xi1>, vector<64xf32>
    %get3A_312 = arith.index_cast %arg0 : i32 to index
    %get3A_313 = arith.constant 0 : index
    %get3A_314 = vector.load %arg6[%get3A_312, %get3A_313] : memref<32x64xf32, #tpu.memory_space<vmem>>, vector<1x64xf32>
    %get3A_315 = arith.constant 30 : index
    %get3A_316 = arith.constant 0 : index
    %get3A_317 = vector.load %arg6[%get3A_315, %get3A_316] : memref<32x64xf32, #tpu.memory_space<vmem>>, vector<1x64xf32>
    %mul3A_318 = arith.constant 9.35762291E-14 : f32
    %mul3A_319 = vector.broadcast %mul3A_318 : f32 to vector<1x64xf32>
    %mul3A_320 = arith.mulf %mul3A_319, %get3A_317 : vector<1x64xf32>
    %sub3A_321 = arith.constant 1.000000e+00 : f32
    %sub3A_322 = arith.constant 9.35762291E-14 : f32
    %sub3A_323 = arith.subf %sub3A_321, %sub3A_322 : f32
    %mul3A_324 = vector.broadcast %sub3A_323 : f32 to vector<1x64xf32>
    %mul3A_325 = arith.mulf %mul3A_324, %get3A_314 : vector<1x64xf32>
    %add3A_326 = arith.addf %mul3A_320, %mul3A_325 : vector<1x64xf32>
    %log3A_327 = math.log %add3A_326 : vector<1x64xf32>
    %reshape3A_328 = vector.shape_cast %reduce_sum3A_292 : vector<64xf32> to vector<1x64xf32>
    %reshape3A_329 = vector.shape_cast %select_n3A_311 : vector<64xf32> to vector<1x64xf32>
    %add3A_330 = arith.addf %reshape3A_328, %reshape3A_329 : vector<1x64xf32>
    %sub3A_331 = arith.subf %add3A_330, %log3A_327 : vector<1x64xf32>
    %reduce_sum3A_332 = vector.shape_cast %sub3A_331 : vector<1x64xf32> to vector<1x1x64xf32>
    %reduce_sum3A_333 = arith.constant dense<0.000000e+00> : vector<1xf32>
    %reduce_sum3A_334 = vector.multi_reduction <add>, %reduce_sum3A_332, %reduce_sum3A_333 [1, 2] : vector<1x1x64xf32> to vector<1xf32>
    %reduce_sum3A_335 = vector.shape_cast %reduce_sum3A_334 : vector<1xf32> to vector<1x1x1xf32>
    %reduce_sum3A_336 = vector.extract %reduce_sum3A_335[0, 0, 0] : f32 from vector<1x1x1xf32>
    %eq3A_337 = arith.constant 0 : i32
    %eq3A_338 = arith.cmpi eq, %arg0, %eq3A_337 : i32
    %convert_element_type3A_339 = arith.extui %eq3A_338 : i1 to i32
    %cond3A = arith.constant 0 : i32
    %cond3A_340 = arith.cmpi ne, %convert_element_type3A_339, %cond3A : i32
    scf.if %cond3A_340 {
      %broadcast_in_dim3A_346 = vector.broadcast %reduce_sum3A_336 : f32 to vector<1x1xf32>
      %swap3A_347 = arith.constant 0 : index
      %swap3A_348 = arith.constant 0 : index
      %swap3A_349 = vector.load %arg8[%swap3A_347, %swap3A_348] : memref<1x1xf32, #tpu.memory_space<vmem>>, vector<1x1xf32>
      tpu.vector_store %arg8[%swap3A_347, %swap3A_348], %broadcast_in_dim3A_346 {strides = array<i32>} : memref<1x1xf32, #tpu.memory_space<vmem>>, vector<1x1xf32>,
    } else {
    }
    %gt3A_341 = arith.constant 0 : i32
    %gt3A_342 = arith.cmpi sgt, %arg0, %gt3A_341 : i32
    %convert_element_type3A_343 = arith.extui %gt3A_342 : i1 to i32
    %cond3A_344 = arith.constant 0 : i32
    %cond3A_345 = arith.cmpi ne, %convert_element_type3A_343, %cond3A_344 : i32
    scf.if %cond3A_345 {
      %get3A_346 = arith.constant 0 : index
      %get3A_347 = arith.constant 0 : index
      %get3A_348 = vector.load %arg8[%get3A_346, %get3A_347] : memref<1x1xf32, #tpu.memory_space<vmem>>, vector<1x1xf32>
      %broadcast_in_dim3A_349 = vector.broadcast %reduce_sum3A_336 : f32 to vector<1x1xf32>
      %add3A_350 = arith.addf %get3A_348, %broadcast_in_dim3A_349 : vector<1x1xf32>
      %swap3A_351 = arith.constant 0 : index
      %swap3A_352 = arith.constant 0 : index
      %swap3A_353 = vector.load %arg8[%swap3A_351, %swap3A_352] : memref<1x1xf32, #tpu.memory_space<vmem>>, vector<1x1xf32>
      tpu.vector_store %arg8[%swap3A_351, %swap3A_352], %add3A_350 {strides = array<i32>} : memref<1x1xf32, #tpu.memory_space<vmem>>, vector<1x1xf32>,
    } else {
    }
    return
  }
  func.func @transform_0(%arg0: i32, %arg1: memref<64xi32, #tpu.memory_space<smem>>) -> (i32, i32, i32) {
    %c0_i32 = arith.constant 0 : i32
    %c0_i32_0 = arith.constant 0 : i32
    %c0_i32_1 = arith.constant 0 : i32
    return %arg0, %c0_i32, %c0_i32_0 : i32, i32, i32
  }
  func.func @transform_1(%arg0: i32, %arg1: memref<64xi32, #tpu.memory_space<smem>>) -> (i32, i32, i32) {
    %c0_i32 = arith.constant 0 : i32
    %c0_i32_0 = arith.constant 0 : i32
    %c0_i32_1 = arith.constant 0 : i32
    return %arg0, %c0_i32, %c0_i32_0 : i32, i32, i32
  }
  func.func @transform_2(%arg0: i32, %arg1: memref<64xi32, #tpu.memory_space<smem>>) -> (i32, i32, i32) {
    %c0_i32 = arith.constant 0 : i32
    %c0_i32_0 = arith.constant 0 : i32
    %c0_i32_1 = arith.constant 0 : i32
    return %arg0, %c0_i32, %c0_i32_0 : i32, i32, i32
  }
  func.func @transform_3(%arg0: i32, %arg1: memref<64xi32, #tpu.memory_space<smem>>) -> (i32, i32, i32) {
    %c0_i32 = arith.constant 0 : i32
    %c0_i32_0 = arith.constant 0 : i32
    %c0_i32_1 = arith.constant 0 : i32
    return %arg0, %c0_i32, %c0_i32_0 : i32, i32, i32
  }
  func.func @transform_4(%arg0: i32, %arg1: memref<64xi32, #tpu.memory_space<smem>>) -> (i32, i32) {
    %c0_i32 = arith.constant 0 : i32
    %c0_i32_0 = arith.constant 0 : i32
    %c0_i32_1 = arith.constant 0 : i32
    return %c0_i32, %c0_i32_0 : i32, i32
  }
  func.func @transform_5(%arg0: i32, %arg1: memref<64xi32, #tpu.memory_space<smem>>) -> (i32, i32, i32) {
    %c0_i32 = arith.constant 0 : i32
    %c0_i32_0 = arith.constant 0 : i32
    %c0_i32_1 = arith.constant 0 : i32
    return %arg0, %c0_i32, %c0_i32_0 : i32, i32, i32
  }
  func.func @transform_6(%arg0: i32, %arg1: memref<64xi32, #tpu.memory_space<smem>>) -> (i32, i32) {
    %c0_i32 = arith.constant 0 : i32
    %c0_i32_0 = arith.constant 0 : i32
    %c0_i32_1 = arith.constant 0 : i32
    return %c0_i32, %c0_i32_0 : i32, i32
  }
}

</mosaic_0001>

<sc_bundles>
// kernel: kernel.14.cloned.1.call-start
scs
__scs_entry_jumppad:
0x0: {  	(pc) =	sbr.rel $0x88, $3  }
0x1: {  	(tag) =	ssettag $0x0;
	lr =	simm.s32 $0x1  }
0x2: {  	[smem:$0x3F97] =	sst lr;
	_ =	strace $0xD0000000  }
0x3: {  	_ = 	snop  }
0x4: {  	_ = 	snop  }
0x5: {  	_ = 	snop  }
0x6: {  	_ = 	snop  }
0x7: {  	_ = 	snop  }
__scs_overlays_trampoline_lowered:
0x8: {  	[smem:$0x3FA6] =	sst s0  }
0x9: {  	[smem:$0x3FA7] =	sst s1  }
0xa: {  	[smem:$0x3FA8] =	sst s2  }
0xb: {  	[smem:$0x3FA9] =	sst s3  }
0xc: {  	[smem:$0x3FAA] =	sst s4  }
0xd: {  	[smem:$0x3FAB] =	sst s5  }
0xe: {  	[smem:$0x3FAC] =	sst s6  }
0xf: {  	[smem:$0x3FAD] =	sst s7  }
0x10: {  	[smem:$0x3FAE] =	sst s8  }
0x11: {  	[smem:$0x3FAF] =	sst s9;
	s0 =	simm.s32 @!p0 $0x0  }
0x12: {  	s1 =	sld [smem:$0x3F95];
	s0 =	simm.s32 @p0 $0x1  }
0x13: {  	[smem:$0x3FB0] =	sst s0;
	s0 =	simm.s32 @!p1 $0x0  }
0x14: {  	s2 =	sld [smem:$0x3F94];
	s0 =	simm.s32 @p1 $0x1  }
0x15: {  	[smem:$0x3FB1] =	sst s0;
	s0 =	simm.s32 @!p2 $0x0  }
0x16: {  	s3 =	sld [smem:$0x3FDB];
	s0 =	simm.s32 @p2 $0x1  }
0x17: {  	s4 =	simm.s32 $0x1BF5;
	[smem:$0x3FB3] =	sst s0  }
0x18: {  	s0 =	sld [smem:$0x3F96];
	_ =	swait.ge [sflag:s4], $0x0  }
0x19: {  	s7 =	sld [smem:$0x3F97]  }
0x1a: {  	s8 =	sadd.s32 $0xFFFFE003, lr  }
0x1b: {  	s9 =	sadd.s32 $0xFFFFFEF7, lr;
	s5 =	simm.s32 $0xFFFFFFFF;
	p2 =	slt.u32 s8, $0xFFFFF086  }
0x1c: {  	p1 =	slt.u32 s9, $0xF7A;
	s5 =	simm.s32 @!p2 $0x0  }
0x1d: {  	s5 =	simm.s32 @p1 $0x1;
	p0 =	seq.s32 s7, s2  }
0x1e: {  	s7 =	smul.u32 @!p0 $0xF7A, s2;
	p2 =	seq.s32 @!p0 s5, $0x0  }
0x1f: {  	s9 =	smul.u32 $0xF7A, s1;
	s8 =	simm.s32 @!p0 $0x1BF5;
	p2 =	por !p2, p0  }
0x20: {  	[sflag:s8] =	ssyncset.s32 @!p0 $0xFFFFF086;
	s6 =	sadd.s32 @!p0 s3, s7;
	s7 =	simm.s32 @!p0 $0x108  }
0x21: {  	s3 =	sadd.s32 s3, s9;
	s6 =	sadd.s32 @!p0 $0x88, s6;
	s7 =	simm.s32 @p2 $0x1082  }
0x22: {  	[simem:s7], [sflag:s8] =	dma.local @!p0 [hbm:s6], $0xF7A  }
0x23: {  	s9 =	sor.u32 $0xD0000000, s2;
	s6 =	simm.s32 $0x108;
	_ =	swait.ge @!p0 [sflag:s8], $0x0  }
0x24: {  	s3 =	sadd.s32 $0x88, s3;
	s6 =	simm.s32 @!p1 $0x1082;
	[sflag:s4] =	ssyncset.s32 $0xFFFFF086  }
0x25: {  	[simem:s6], [sflag:s4] =	dma.local [hbm:s3], $0xF7A  }
0x26: {  	[smem:$0x3F97] =	sst s1;
	(tag) =	ssettag s2;
	_ =	strace s9  }
0x27: {  	s1 =	sld [smem:$0x3FA7]  }
0x28: {  	s2 =	sld [smem:$0x3FA8]  }
0x29: {  	s4 =	sld [smem:$0x3FAA]  }
0x2a: {  	p0 =	seq.s32 s5, $0x0;
	s5 =	sld [smem:$0x3FAB]  }
0x2b: {  	s6 =	sld [smem:$0x3FAC]  }
0x2c: {  	s7 =	sld [smem:$0x3FAD]  }
0x2d: {  	s3 =	simm.s32 $0x108;
	s8 =	sld [smem:$0x3FAE]  }
0x2e: {  	s3 =	simm.s32 @!p0 $0x1082;
	s9 =	sld [smem:$0x3FAF]  }
0x2f: {  	lr =	sadd.s32 s0, s3;
	s0 =	sld [smem:$0x3FA6]  }
0x30: {  	s3 =	sld [smem:$0x3FA9]  }
0x31: {  	[smem:$0x3FB2] =	sst s10  }
0x32: {  	s10 =	sld [smem:$0x3FB0];
	_ =	sdelay $0x3  }
0x33: {  	p0 =	seq.s32 s10, $0x1;
	s10 =	sld [smem:$0x3FB2];
	_ =	sdelay $0x3  }
0x34: {  	[smem:$0x3FB2] =	sst s10  }
0x35: {  	s10 =	sld [smem:$0x3FB1];
	_ =	sdelay $0x3  }
0x36: {  	p1 =	seq.s32 s10, $0x1;
	s10 =	sld [smem:$0x3FB2];
	_ =	sdelay $0x3  }
0x37: {  	[smem:$0x3FB2] =	sst s10  }
0x38: {  	s10 =	sld [smem:$0x3FB3]  }
0x39: {  	_ = 	snop;
	(pc) =	sbr.ind lr, $3  }
0x3a: {  	_ = 	snop  }
0x3b: {  	_ = 	snop  }
0x3c: {  	p2 =	seq.s32 s10, $0x1;
	s10 =	sld [smem:$0x3FB2]  }
0x3d: {  	_ =	shalt  }
0x3e: {  	_ =	shalt  }
0x3f: {  	_ =	shalt  }
0x40: {  	_ =	shalt  }
0x41: {  	_ =	shalt  }
0x42: {  	_ =	shalt  }
0x43: {  	_ =	shalt  }
0x44: {  	_ =	shalt  }
0x45: {  	_ =	shalt  }
0x46: {  	_ =	shalt  }
0x47: {  	_ =	shalt  }
0x48: {  	_ =	shalt  }
0x49: {  	_ =	shalt  }
0x4a: {  	_ =	shalt  }
0x4b: {  	_ =	shalt  }
0x4c: {  	_ =	shalt  }
0x4d: {  	_ =	shalt  }
0x4e: {  	_ =	shalt  }
0x4f: {  	_ =	shalt  }
0x50: {  	_ =	shalt  }
0x51: {  	_ =	shalt  }
0x52: {  	_ =	shalt  }
0x53: {  	_ =	shalt  }
0x54: {  	_ =	shalt  }
0x55: {  	_ =	shalt  }
0x56: {  	_ =	shalt  }
0x57: {  	_ =	shalt  }
0x58: {  	_ =	shalt  }
0x59: {  	_ =	shalt  }
0x5a: {  	_ =	shalt  }
0x5b: {  	_ =	shalt  }
0x5c: {  	_ =	shalt  }
0x5d: {  	_ =	shalt  }
0x5e: {  	_ =	shalt  }
0x5f: {  	_ =	shalt  }
0x60: {  	_ =	shalt  }
0x61: {  	_ =	shalt  }
0x62: {  	_ =	shalt  }
0x63: {  	_ =	shalt  }
0x64: {  	_ =	shalt  }
0x65: {  	_ =	shalt  }
0x66: {  	_ =	shalt  }
0x67: {  	_ =	shalt  }
0x68: {  	_ =	shalt  }
0x69: {  	_ =	shalt  }
0x6a: {  	_ =	shalt  }
0x6b: {  	_ =	shalt  }
0x6c: {  	_ =	shalt  }
0x6d: {  	_ =	shalt  }
0x6e: {  	_ =	shalt  }
0x6f: {  	_ =	shalt  }
0x70: {  	_ =	shalt  }
0x71: {  	_ =	shalt  }
0x72: {  	_ =	shalt  }
0x73: {  	_ =	shalt  }
0x74: {  	_ =	shalt  }
0x75: {  	_ =	shalt  }
0x76: {  	_ =	shalt  }
0x77: {  	_ =	shalt  }
0x78: {  	_ =	shalt  }
0x79: {  	_ =	shalt  }
0x7a: {  	_ =	shalt  }
0x7b: {  	_ =	shalt  }
0x7c: {  	_ =	shalt  }
0x7d: {  	_ =	shalt  }
0x7e: {  	_ =	shalt  }
0x7f: {  	_ =	shalt  }
0x80: {  	_ =	shalt  }
0x81: {  	_ =	shalt  }
0x82: {  	_ =	shalt  }
0x83: {  	_ =	shalt  }
0x84: {  	_ =	shalt  }
0x85: {  	_ =	shalt  }
0x86: {  	_ =	shalt  }
0x87: {  	_ =	shalt  }
.Lfunc_end0:
.L_simem_size_0:
called_computation_lowered:
.L_overlay_start_0:
0x88: {  	s2 =	sld [smem:$0x3FD9]  }
0x89: {  	s3 =	sld [smem:$0x3FFE];
	_ =	sdelay $0x1  }
0x8a: {  	s1 =	srdreg.scid  }
0x8b: {  	s0 =	sand.u32 $0x1, s1  }
0x8c: {  	s16 =	sshll.u32 s0, $0xA;
	s2 =	sadd.s32 s3, s2  }
0x8d: {  	s2 =	sadd.s32 s2, s16  }
0x8e: {  	[smem:$0x3FBE] =	sst s2  }
0x8f: {  	_ = 	snop  }
0x90: {  	(tm) =	ssettm $0x1  }
0x91: {  	s17 =	sld [smem:$0x3FFB];
	_ =	sdelay $0x3  }
0x92: {  	_ =	strace s17  }
0x93: {  	s2 =	sld [smem:$0x3FFC];
	_ =	sdelay $0x3  }
0x94: {  	_ =	strace s2  }
0x95: {  	s2 =	sld [smem:$0x3FFD];
	_ =	sdelay $0x3  }
0x96: {  	_ =	strace s2  }
0x97: {  	_ =	strace $0x8FFFFFFF  }
0x98: {  	s18 =	sld [smem:$0x3FDB];
	_ =	sdelay $0x1  }
0x99: {  	s19 =	simm.s32 $_scs_section_size  }
0x9a: {  	s4 =	simm.s32 $_size__tile_overlayer_lowered;
	s5 =	simm.s32 $_tile_overlayer_lowered  }
0x9b: {  	s22 =	simm.s32 $0x1BFF;
	s21 =	sshll.u32 s5, $0x1;
	s2 =	sadd.s32 s19, s18  }
0x9c: {  	s6 =	simm.s32 $0x0;
	s20 =	sshll.u32 s4, $0x1;
	s4 =	sadd.s32 s21, s2  }
0x9d: {  	[timem:s6], [sflag:s22] =	dma.local [hbm:s4], s20  }
0x9e: {  	_ =	swait.ge [sflag:s22], s20  }
0x9f: {  	s3 =	ssub.s32 $0x0, s20;
	[sflag:s22] =	ssyncset.done $0x0  }
0xa0: {  	[sflag:s22] =	ssyncadd.s32 s3;
	_ =	sdelay $0x1  }
0xa1: {  	s23 =	simm.s32 $0x1B8B  }
0xa2: {  	_ =	swait.ge [sflag:s23], $0x1  }
0xa3: {  	[sflag:s23] =	ssyncset.done $0x0  }
0xa4: {  	s25 =	simm.s32 $0x1B8E;
	s24 =	sld [smem:$0x3FFE];
	[sflag:s23] =	ssyncadd.s32 $0xFFFFFFFF  }
0xa5: {  	s26 =	simm.s32 $execute0_lowered;
	[smem:$0x3FD2] =	sst s25  }
0xa6: {  	s4 =	sshll.u32 s26, $0x1;
	_ =	strace $0x80000046;
	[dreg:$0x1] =	wrdreg $0xFFFFFFFF  }
0xa7: {  	s28 =	simm.s32 $_size_execute0_lowered;
	s2 =	sadd.s32 s2, s4;
	[dreg:$0x0] =	wrdreg $0x0  }
0xa8: {  	s4 =	sshll.u32 s28, $0x1;
	[dreg:$0x2] =	wrdreg s2  }
0xa9: {  	[dreg:$0x3] =	wrdreg s4  }
0xaa: {  	[dreg:$0x4] =	wrdreg $0xC0  }
0xab: {  	_ =	task [dreg:s6], $0x5FFFF  }
0xac: {  	[dreg:$0x1] =	wrdreg $0xFFFFFFFF  }
0xad: {  	[dreg:$0x0] =	wrdreg $0x60  }
0xae: {  	[dreg:$0x2] =	wrdreg s24  }
0xaf: {  	[dreg:$0x3] =	wrdreg $0x9  }
0xb0: {  	_ =	task.clear_ibuf [dreg:s6], $0x4FFFF;
	_ =	strace $0x90000046  }
0xb1: {  	s29 =	simm.s32 $0x9;
	_ =	strace $0x80000048  }
0xb2: {  	_ =	swait.ge [sflag:s29], $0x1  }
0xb3: {  	[sflag:s29] =	ssyncadd.s32 $0xFFFFFFFF  }
0xb4: {  	_ =	strace $0x90000048  }
0xb5: {  	_ =	sfence  }
0xb6: {  	s30 =	sld [smem:$0x0];
	_ =	sdelay $0x2  }
0xb7: {  	s31 =	sshll.u32 s1, $0xD;
	s1 =	sshrl.u32 s1, $0x2  }
0xb8: {  	s3 =	sand.u32 $0x4000, s31;
	s1 =	sadd.s32 s1, s30  }
0xb9: {  	s0 =	sor.u32 s3, s0;
	s1 =	sshll.u32 s1, $0x11  }
0xba: {  	s0 =	sor.u32 s1, s0  }
0xbb: {  	s0 =	sadd.s32 $0x8F2B, s0  }
0xbc: {  	[sflag:s0] =	ssyncadd.remote.s32 $0x1  }
0xbd: {  	_ =	sfence.sel $0xFFFF  }
0xbe: {  	[dreg:$0x0] =	wrdreg $0xFFFFFFFF;
	(pc) =	sbr.abs _section_cstart, $3  }
0xbf: {  	[dreg:$0x1] =	wrdreg $0xFFFFFFFF  }
0xc0: {  	_ =	task.clear_ibuf [dreg:s6], $0x2FFFF;
	_ =	strace $0x9FFFFFFF  }
0xc1: {  	(tm) =	ssettm $0x7FFFFFFF  }
tec
execute0_lowered:
.L_overlay_start_1:
0x0: {  	(tag) =	ssettag $0x1  }
0x1: {  	s1 =	stileid.u32  }
0x2: {  	p0 =	seq.s32 s1, $0xF  }
.Ltmp0:
0x3: {  	_ = 	snop;
	(pc) =	sbr.rel @p0 .LBB2_9-.Ltmp0, $4  }
0x4: {  	_ = 	snop  }
0x5: {  	s4 =	rddreg [dreg:$0x0];
	s2 =	simm.s32 $0x0  }
0x6: {  	[smem:$0x7FF] =	sst s2  }
0x7: {  	s0 =	rddreg [dreg:$0x1];
	_ =	strace $0x80000047  }
0x8: {  	s3 =	srdreg.scid  }
0x9: {  	s5 =	sshll.u32 s1, $0x1;
	s3 =	sand.u32 $0x1, s3  }
0xa: {  	s5 =	sor.u32 s3, s5;
	s7 =	ssub.s32 $0x2, s3  }
0xb: {  	s6 =	smul.u32 $0x1400, s5;
	s8 =	sshrl.u32 s7, $0x1  }
0xc: {  	s9 =	simm.s32 $0x0;
	s3 =	sadd.s32 $0x2200, s4;
	s7 =	ssub.s32 s7, s8  }
0xd: {  	s8 =	simm.s32 $0x3100;
	s6 =	sadd.s32 s6, s4;
	s4 =	smul.u32 $0x18800, s5  }
0xe: {  	v0 =	vimm.s32 $0x186A0;
	v1 =	vlaneseq.u32;
	v2 =	vimm.s32 $0x0;
	s5 =	sadd.s32 $0x5E000, s6;
	s6 =	smax.u32 s7, $0x1;
	s7 =	simm.s32 $0x1  }
.LBB2_2:
0xf: {  	s10 =	simm.s32 $0x0;
	s11 =	simm.s32 $0x40;
	s12 =	simm.s32 $0x0  }
.LBB2_3:
0x10: {  	p0 =	sne.s32 s11, $0x27FC0;
	[tilespmem:s12+$0x3100] =	vst v0;
	s12 =	smov.u32 s11;
	s11 =	sadd.s32 $0x40, s11  }
.Ltmp1:
0x11: {  	(pc) =	sbr.rel @p0 .LBB2_3-.Ltmp1, $2  }
0x12: {  	_ =	sdelay $0x2  }
0x13: {  	s12 =	sshra.s32 s12, $0x2  }
0x14: {  	[tilespmem:s12+$0x3100] =	vst v0;
	s14 =	simm.s32 $0x0;
	s12 =	simm.s32 $0x0;
	s11 =	simm.s32 $0x0  }
.LBB2_5:
0x15: {  	s13 =	smul.u32 $0x3100, s11;
	_ =	sdelay $0x1  }
0x16: {  	s13 =	sadd.s32 s4, s13  }
0x17: {  	s13 =	sshrl.u32 s13, $0x3  }
0x18: {  	s15 =	simm.s32 $0x0;
	s13 =	sadd.s32 s3, s13  }
0x19: {  	[tilespmem:s15], [sflag:$0x1] =	stream.linear.gather [hbm4b:s13+s15], $0x3100, $0x38;
	[tilespmem:$0xD180] =	vst v63  }
0x1a: {  	_ =	swait.ge [sflag:s7], $0x3100  }
0x1b: {  	[sflag:s7] =	ssyncset.done $0x0  }
0x1c: {  	s28 =	simm.s32 $0x0;
	[sflag:s7] =	ssyncadd.s32 $0xFFFFCF00  }
0x1d: {  	v3 =	vld [tilespmem:s28+$0x0];
	_ =	sdelay $0x4  }
0x1e: {  	v3 =	vadd.s32 $0xC3DC28F6, v3  }
0x1f: {  	[tilespmem:$0xD100] =	vst v2;
	v4 =	vshrl.u32 v3, $0x1F  }
0x20: {  	[tilespmem:$0xD110] =	vst v4  }
0x21: {  	v5 =	vld [tilespmem:$0xD10F];
	_ =	sdelay $0x4  }
0x22: {  	v5 =	vadd.s32 v4, v5  }
0x23: {  	[tilespmem:$0xD110] =	vst v5  }
0x24: {  	v6 =	vld [tilespmem:$0xD10E];
	_ =	sdelay $0x4  }
0x25: {  	[tilespmem:$0xD100] =	vst v2;
	v5 =	vadd.s32 v5, v6  }
0x26: {  	[tilespmem:$0xD110] =	vst v5  }
0x27: {  	v6 =	vld [tilespmem:$0xD10C];
	_ =	sdelay $0x3  }
0x28: {  	p0 =	slt.s32 s12, $0x4FF;
	v7 =	vor.u32 s10, v1;
	s13 =	smov.u32 s12;
	v4 =	vxor.u32 $0x1, v4  }
0x29: {  	s13 =	simm.s32 @!p0 $0x4FF;
	v3 =	vshra.s32 v3, $0x1F;
	v4 =	vmul.u32 $0x186A0, v4;
	v5 =	vadd.s32 v5, v6  }
0x2a: {  	s13 =	sshll.u32 s13, $0x7;
	v3 =	vand.u32 v7, v3;
	[tilespmem:$0xD110] =	vst v5  }
0x2b: {  	s13 =	sshra.s32 s13, $0x2;
	v3 =	vadd.s32 v3, v4;
	v4 =	vld [tilespmem:$0xD108]  }
0x2c: {  	[tilespmem:s13+$0x3100] =	vst v3;
	v3 =	vmov s14  }
0x2d: {  	s29 =	simm.s32 $0x10;
	[tilespmem:s13+$0x3110] =	vst v3  }
0x2e: {  	v3 =	vld [tilespmem:s29+$0x0]  }
0x2f: {  	(v2sf) =	vpush v5, $0xF  }
0x30: {  	(v2sf) =	vpush v4, $0xF;
	_ =	sdelay $0x2  }
0x31: {  	v3 =	vadd.s32 $0xC3DC28F6, v3  }
0x32: {  	[tilespmem:$0xD100] =	vst v2;
	v4 =	vshrl.u32 v3, $0x1F  }
0x33: {  	[tilespmem:$0xD110] =	vst v4  }
0x34: {  	v5 =	vld [tilespmem:$0xD10F];
	_ =	sdelay $0x4  }
0x35: {  	v5 =	vadd.s32 v4, v5  }
0x36: {  	[tilespmem:$0xD110] =	vst v5  }
0x37: {  	v6 =	vld [tilespmem:$0xD10E]  }
0x38: {  	s30 =	spop (v2sf)  }
0x39: {  	s31 =	spop (v2sf)  }
0x3a: {  	s16 =	sadd.s32 s30, s31  }
0x3b: {  	s17 =	simm.s32 $0x80;
	v4 =	vxor.u32 $0x1, v4;
	p0 =	slt.s32 s16, $0x1  }
0x3c: {  	v3 =	vshra.s32 v3, $0x1F;
	v4 =	vmul.u32 $0x186A0, v4;
	[tilespmem:$0xD100] =	vst v2;
	s13 =	sadd.s32 s14, s16;
	v5 =	vadd.s32 v5, v6;
	s14 =	smov.u32 s10;
	s16 =	simm.s32 @!p0 $0x1  }
.LBB2_6:
0x3d: {  	s12 =	sadd.s32 s12, s16  }
0x3e: {  	[tilespmem:$0xD110] =	vst v5;
	s14 =	sadd.s32 $0x10, s14;
	s16 =	smov.u32 s17;
	s15 =	sadd.s32 $0x40, s17  }
0x3f: {  	p0 =	sne.s32 s17, $0xC3C0;
	v6 =	vld [tilespmem:$0xD10C];
	p1 =	slt.s32 s12, $0x4FF;
	s17 =	smov.u32 s12  }
0x40: {  	s17 =	simm.s32 @!p1 $0x4FF  }
0x41: {  	s17 =	sshll.u32 s17, $0x7;
	_ =	sdelay $0x2  }
0x42: {  	v7 =	vor.u32 s14, v1;
	v5 =	vadd.s32 v5, v6  }
0x43: {  	v3 =	vand.u32 v7, v3;
	[tilespmem:$0xD110] =	vst v5  }
0x44: {  	v3 =	vadd.s32 v3, v4;
	s17 =	sshra.s32 s17, $0x2;
	v4 =	vld [tilespmem:$0xD108]  }
0x45: {  	[tilespmem:s17+$0x3100] =	vst v3;
	v3 =	vmov s13  }
0x46: {  	s16 =	sshra.s32 s16, $0x2;
	[tilespmem:s17+$0x3110] =	vst v3  }
0x47: {  	v3 =	vld [tilespmem:s16+$0x0]  }
0x48: {  	(v2sf) =	vpush v5, $0xF  }
0x49: {  	(v2sf) =	vpush v4, $0xF;
	_ =	sdelay $0x2  }
0x4a: {  	v3 =	vadd.s32 $0xC3DC28F6, v3  }
0x4b: {  	v5 =	vshrl.u32 v3, $0x1F;
	v3 =	vshra.s32 v3, $0x1F;
	[tilespmem:$0xD100] =	vst v2  }
0x4c: {  	v4 =	vxor.u32 $0x1, v5;
	[tilespmem:$0xD110] =	vst v5  }
0x4d: {  	v4 =	vmul.u32 $0x186A0, v4;
	v6 =	vld [tilespmem:$0xD10F];
	_ =	sdelay $0x4  }
0x4e: {  	v5 =	vadd.s32 v5, v6  }
0x4f: {  	[tilespmem:$0xD110] =	vst v5  }
0x50: {  	v6 =	vld [tilespmem:$0xD10E]  }
.Ltmp2:
0x51: {  	[tilespmem:$0xD100] =	vst v2;
	s16 =	spop (v2sf);
	(pc) =	sbr.rel @p0 .LBB2_6-.Ltmp2, $4  }
0x52: {  	s17 =	spop (v2sf)  }
0x53: {  	s16 =	sadd.s32 s16, s17  }
0x54: {  	p1 =	slt.s32 s16, $0x1;
	s13 =	sadd.s32 s13, s16  }
0x55: {  	s17 =	smov.u32 s15;
	v5 =	vadd.s32 v5, v6;
	s16 =	simm.s32 @!p1 $0x1  }
0x56: {  	[tilespmem:$0xD110] =	vst v5  }
0x57: {  	v6 =	vld [tilespmem:$0xD10C];
	_ =	sdelay $0x4  }
0x58: {  	v60 =	vadd.s32 v5, v6  }
0x59: {  	[tilespmem:$0xD110] =	vst v60  }
0x5a: {  	v61 =	vld [tilespmem:$0xD108];
	_ =	sdelay $0x3  }
0x5b: {  	(v2sf) =	vpush v60, $0xF  }
0x5c: {  	(v2sf) =	vpush v61, $0xF;
	_ =	sdelay $0xd  }
0x5d: {  	s30 =	spop (v2sf)  }
0x5e: {  	s12 =	sadd.s32 s12, s16;
	s14 =	sadd.s32 $0x10, s14;
	s31 =	spop (v2sf)  }
0x5f: {  	p0 =	slt.s32 s12, $0x4FF;
	s15 =	smov.u32 s12;
	s16 =	sadd.s32 s30, s31  }
0x60: {  	s11 =	sadd.s32 $0x1, s11;
	s15 =	simm.s32 @!p0 $0x4FF;
	p0 =	slt.s32 s16, $0x1  }
0x61: {  	v62 =	vor.u32 s14, v1;
	s14 =	sadd.s32 s13, s16;
	s16 =	simm.s32 @!p0 $0x1;
	p0 =	sne.s32 s11, $0x8  }
.Ltmp3:
0x62: {  	_ = 	snop;
	(pc) =	sbr.rel @p0 .LBB2_5-.Ltmp3, $4  }
0x63: {  	v3 =	vand.u32 v62, v3;
	s15 =	sshll.u32 s15, $0x7  }
0x64: {  	v3 =	vadd.s32 v3, v4;
	s15 =	sshra.s32 s15, $0x2  }
0x65: {  	v63 =	vmov s13;
	[tilespmem:s15+$0x3100] =	vst v3  }
0x66: {  	s10 =	sadd.s32 $0x3100, s10;
	[tilespmem:s15+$0x3110] =	vst v63;
	s12 =	sadd.s32 s12, s16  }
0x67: {  	s9 =	sadd.s32 $0x1, s9  }
0x68: {  	p0 =	sne.s32 s9, s6  }
.Ltmp4:
0x69: {  	_ = 	snop;
	(pc) =	sbr.rel @p0 .LBB2_2-.Ltmp4, $4  }
0x6a: {  	[hbm4b:s5+s2] =	stream.linear.scatter [tilespmem:s8], [sflag:$0x1], $0xA000, $0x38;
	[tilespmem:$0xD180] =	vst v63  }
0x6b: {  	_ =	swait.ge [sflag:s7], $0xA000  }
0x6c: {  	[sflag:s7] =	ssyncset.done $0x0  }
0x6d: {  	[sflag:s7] =	ssyncadd.s32 $0xFFFF6000  }
.LBB2_9:
0x6e: {  	_ =	sfence.sel $0x180000  }
0x6f: {  	[bflag:$0x0] =	sbarrier.arrive $0xFFFF  }
0x70: {  	p0 =	sne.s32 s1, $0x0;
	_ =	strace $0x90000047  }
0x71: {  	s0 =	sadd.s32 @!p0 $0x100000, s0;
	[bflag:$0x2] =	sbarrier.arrive $0xFFFF  }
0x72: {  	[sflag:s0] =	ssyncadd.tile.s32 @!p0 $0x1;
	_ =	shalt  }
.Lfunc_end2:
_tile_overlayer_lowered:
.L_overlay_start_2:
0x73: {  	(tag) =	ssettag $0x2  }
0x74: {  	s0 =	rddreg [dreg:$0x0];
	s2 =	stileid.u32  }
0x75: {  	s1 =	rddreg [dreg:$0x1];
	p0 =	sne.s32 s2, $0x0  }
0x76: {  	s3 =	rddreg [dreg:$0x2];
	[bflag:$0x3] =	sbarrier.arrive $0xFFFF;
	s2 =	simm.s32 @!p0 $0x1C01  }
0x77: {  	[timem:s3], [sflag:s2] =	dma.local @!p0 [hbm:s0], s1  }
0x78: {  	s0 =	simm.s32 @!p0 $0x1  }
0x79: {  	_ =	swait.ge @!p0 [sflag:s0], s1  }
0x7a: {  	s1 =	ssub.s32 @!p0 $0x0, s1;
	[sflag:s0] =	ssyncset.done @!p0 $0x0  }
0x7b: {  	[sflag:s0] =	ssyncadd.s32 @!p0 s1  }
0x7c: {  	[bflag:$0x3] =	sbarrier.arrive $0xFFFF  }
0x7d: {  	_ =	shalt  }

// kernel: kernel.17.cloned.1.call-start
scs
__scs_entry_jumppad:
0x0: {  	(pc) =	sbr.rel $0x88, $3  }
0x1: {  	(tag) =	ssettag $0x0;
	lr =	simm.s32 $0x1  }
0x2: {  	[smem:$0x3F97] =	sst lr;
	_ =	strace $0xD0000000  }
0x3: {  	_ = 	snop  }
0x4: {  	_ = 	snop  }
0x5: {  	_ = 	snop  }
0x6: {  	_ = 	snop  }
0x7: {  	_ = 	snop  }
__scs_overlays_trampoline_lowered:
0x8: {  	[smem:$0x3FA6] =	sst s0  }
0x9: {  	[smem:$0x3FA7] =	sst s1  }
0xa: {  	[smem:$0x3FA8] =	sst s2  }
0xb: {  	[smem:$0x3FA9] =	sst s3  }
0xc: {  	[smem:$0x3FAA] =	sst s4  }
0xd: {  	[smem:$0x3FAB] =	sst s5  }
0xe: {  	[smem:$0x3FAC] =	sst s6  }
0xf: {  	[smem:$0x3FAD] =	sst s7  }
0x10: {  	[smem:$0x3FAE] =	sst s8  }
0x11: {  	[smem:$0x3FAF] =	sst s9;
	s0 =	simm.s32 @!p0 $0x0  }
0x12: {  	s1 =	sld [smem:$0x3F95];
	s0 =	simm.s32 @p0 $0x1  }
0x13: {  	[smem:$0x3FB0] =	sst s0;
	s0 =	simm.s32 @!p1 $0x0  }
0x14: {  	s2 =	sld [smem:$0x3F94];
	s0 =	simm.s32 @p1 $0x1  }
0x15: {  	[smem:$0x3FB1] =	sst s0;
	s0 =	simm.s32 @!p2 $0x0  }
0x16: {  	s3 =	sld [smem:$0x3FDB];
	s0 =	simm.s32 @p2 $0x1  }
0x17: {  	s4 =	simm.s32 $0x1BF5;
	[smem:$0x3FB3] =	sst s0  }
0x18: {  	s0 =	sld [smem:$0x3F96];
	_ =	swait.ge [sflag:s4], $0x0  }
0x19: {  	s7 =	sld [smem:$0x3F97]  }
0x1a: {  	s8 =	sadd.s32 $0xFFFFE003, lr  }
0x1b: {  	s9 =	sadd.s32 $0xFFFFFEF7, lr;
	s5 =	simm.s32 $0xFFFFFFFF;
	p2 =	slt.u32 s8, $0xFFFFF086  }
0x1c: {  	p1 =	slt.u32 s9, $0xF7A;
	s5 =	simm.s32 @!p2 $0x0  }
0x1d: {  	s5 =	simm.s32 @p1 $0x1;
	p0 =	seq.s32 s7, s2  }
0x1e: {  	s7 =	smul.u32 @!p0 $0xF7A, s2;
	p2 =	seq.s32 @!p0 s5, $0x0  }
0x1f: {  	s9 =	smul.u32 $0xF7A, s1;
	s8 =	simm.s32 @!p0 $0x1BF5;
	p2 =	por !p2, p0  }
0x20: {  	[sflag:s8] =	ssyncset.s32 @!p0 $0xFFFFF086;
	s6 =	sadd.s32 @!p0 s3, s7;
	s7 =	simm.s32 @!p0 $0x108  }
0x21: {  	s3 =	sadd.s32 s3, s9;
	s6 =	sadd.s32 @!p0 $0x88, s6;
	s7 =	simm.s32 @p2 $0x1082  }
0x22: {  	[simem:s7], [sflag:s8] =	dma.local @!p0 [hbm:s6], $0xF7A  }
0x23: {  	s9 =	sor.u32 $0xD0000000, s2;
	s6 =	simm.s32 $0x108;
	_ =	swait.ge @!p0 [sflag:s8], $0x0  }
0x24: {  	s3 =	sadd.s32 $0x88, s3;
	s6 =	simm.s32 @!p1 $0x1082;
	[sflag:s4] =	ssyncset.s32 $0xFFFFF086  }
0x25: {  	[simem:s6], [sflag:s4] =	dma.local [hbm:s3], $0xF7A  }
0x26: {  	[smem:$0x3F97] =	sst s1;
	(tag) =	ssettag s2;
	_ =	strace s9  }
0x27: {  	s1 =	sld [smem:$0x3FA7]  }
0x28: {  	s2 =	sld [smem:$0x3FA8]  }
0x29: {  	s4 =	sld [smem:$0x3FAA]  }
0x2a: {  	p0 =	seq.s32 s5, $0x0;
	s5 =	sld [smem:$0x3FAB]  }
0x2b: {  	s6 =	sld [smem:$0x3FAC]  }
0x2c: {  	s7 =	sld [smem:$0x3FAD]  }
0x2d: {  	s3 =	simm.s32 $0x108;
	s8 =	sld [smem:$0x3FAE]  }
0x2e: {  	s3 =	simm.s32 @!p0 $0x1082;
	s9 =	sld [smem:$0x3FAF]  }
0x2f: {  	lr =	sadd.s32 s0, s3;
	s0 =	sld [smem:$0x3FA6]  }
0x30: {  	s3 =	sld [smem:$0x3FA9]  }
0x31: {  	[smem:$0x3FB2] =	sst s10  }
0x32: {  	s10 =	sld [smem:$0x3FB0];
	_ =	sdelay $0x3  }
0x33: {  	p0 =	seq.s32 s10, $0x1;
	s10 =	sld [smem:$0x3FB2];
	_ =	sdelay $0x3  }
0x34: {  	[smem:$0x3FB2] =	sst s10  }
0x35: {  	s10 =	sld [smem:$0x3FB1];
	_ =	sdelay $0x3  }
0x36: {  	p1 =	seq.s32 s10, $0x1;
	s10 =	sld [smem:$0x3FB2];
	_ =	sdelay $0x3  }
0x37: {  	[smem:$0x3FB2] =	sst s10  }
0x38: {  	s10 =	sld [smem:$0x3FB3]  }
0x39: {  	_ = 	snop;
	(pc) =	sbr.ind lr, $3  }
0x3a: {  	_ = 	snop  }
0x3b: {  	_ = 	snop  }
0x3c: {  	p2 =	seq.s32 s10, $0x1;
	s10 =	sld [smem:$0x3FB2]  }
0x3d: {  	_ =	shalt  }
0x3e: {  	_ =	shalt  }
0x3f: {  	_ =	shalt  }
0x40: {  	_ =	shalt  }
0x41: {  	_ =	shalt  }
0x42: {  	_ =	shalt  }
0x43: {  	_ =	shalt  }
0x44: {  	_ =	shalt  }
0x45: {  	_ =	shalt  }
0x46: {  	_ =	shalt  }
0x47: {  	_ =	shalt  }
0x48: {  	_ =	shalt  }
0x49: {  	_ =	shalt  }
0x4a: {  	_ =	shalt  }
0x4b: {  	_ =	shalt  }
0x4c: {  	_ =	shalt  }
0x4d: {  	_ =	shalt  }
0x4e: {  	_ =	shalt  }
0x4f: {  	_ =	shalt  }
0x50: {  	_ =	shalt  }
0x51: {  	_ =	shalt  }
0x52: {  	_ =	shalt  }
0x53: {  	_ =	shalt  }
0x54: {  	_ =	shalt  }
0x55: {  	_ =	shalt  }
0x56: {  	_ =	shalt  }
0x57: {  	_ =	shalt  }
0x58: {  	_ =	shalt  }
0x59: {  	_ =	shalt  }
0x5a: {  	_ =	shalt  }
0x5b: {  	_ =	shalt  }
0x5c: {  	_ =	shalt  }
0x5d: {  	_ =	shalt  }
0x5e: {  	_ =	shalt  }
0x5f: {  	_ =	shalt  }
0x60: {  	_ =	shalt  }
0x61: {  	_ =	shalt  }
0x62: {  	_ =	shalt  }
0x63: {  	_ =	shalt  }
0x64: {  	_ =	shalt  }
0x65: {  	_ =	shalt  }
0x66: {  	_ =	shalt  }
0x67: {  	_ =	shalt  }
0x68: {  	_ =	shalt  }
0x69: {  	_ =	shalt  }
0x6a: {  	_ =	shalt  }
0x6b: {  	_ =	shalt  }
0x6c: {  	_ =	shalt  }
0x6d: {  	_ =	shalt  }
0x6e: {  	_ =	shalt  }
0x6f: {  	_ =	shalt  }
0x70: {  	_ =	shalt  }
0x71: {  	_ =	shalt  }
0x72: {  	_ =	shalt  }
0x73: {  	_ =	shalt  }
0x74: {  	_ =	shalt  }
0x75: {  	_ =	shalt  }
0x76: {  	_ =	shalt  }
0x77: {  	_ =	shalt  }
0x78: {  	_ =	shalt  }
0x79: {  	_ =	shalt  }
0x7a: {  	_ =	shalt  }
0x7b: {  	_ =	shalt  }
0x7c: {  	_ =	shalt  }
0x7d: {  	_ =	shalt  }
0x7e: {  	_ =	shalt  }
0x7f: {  	_ =	shalt  }
0x80: {  	_ =	shalt  }
0x81: {  	_ =	shalt  }
0x82: {  	_ =	shalt  }
0x83: {  	_ =	shalt  }
0x84: {  	_ =	shalt  }
0x85: {  	_ =	shalt  }
0x86: {  	_ =	shalt  }
0x87: {  	_ =	shalt  }
.Lfunc_end0:
.L_simem_size_0:
called_computation.1_lowered:
.L_overlay_start_0:
0x88: {  	s2 =	sld [smem:$0x3FD9]  }
0x89: {  	s3 =	sld [smem:$0x3FFE];
	_ =	sdelay $0x1  }
0x8a: {  	s1 =	srdreg.scid  }
0x8b: {  	s0 =	sand.u32 $0x1, s1  }
0x8c: {  	s14 =	sshll.u32 s0, $0xA;
	s2 =	sadd.s32 s3, s2  }
0x8d: {  	s2 =	sadd.s32 s2, s14  }
0x8e: {  	[smem:$0x3FBE] =	sst s2  }
0x8f: {  	_ = 	snop  }
0x90: {  	s2 =	sld [smem:$0x3FD0];
	_ =	sdelay $0x2  }
0x91: {  	s15 =	simm.s32 $0xA;
	s4 =	simm.s32 $0x10  }
0x92: {  	[smem:s4], [sflag:s15] =	dma.local [hbm:s2], $0x1  }
0x93: {  	_ =	swait.eq [sflag:s15], $0x1  }
0x94: {  	[sflag:s15] =	ssyncset.done $0x0  }
0x95: {  	[sflag:s15] =	ssyncadd.s32 $0xFFFFFFFF  }
0x96: {  	s16 =	sld [smem:$0x10];
	(tm) =	ssettm $0x1  }
0x97: {  	s17 =	sld [smem:$0x3FFB];
	_ =	sdelay $0x3  }
0x98: {  	_ =	strace s17  }
0x99: {  	s3 =	sld [smem:$0x3FFC];
	_ =	sdelay $0x3  }
0x9a: {  	_ =	strace s3  }
0x9b: {  	s3 =	sld [smem:$0x3FFD];
	_ =	sdelay $0x3  }
0x9c: {  	_ =	strace s3  }
0x9d: {  	_ =	strace $0x8FFFFFFF  }
0x9e: {  	s18 =	sld [smem:$0x3FDB];
	_ =	sdelay $0x1  }
0x9f: {  	s19 =	simm.s32 $_scs_section_size  }
0xa0: {  	s5 =	simm.s32 $_size__tile_overlayer_lowered;
	s6 =	simm.s32 $_tile_overlayer_lowered  }
0xa1: {  	s22 =	simm.s32 $0x1BFF;
	s21 =	sshll.u32 s6, $0x1;
	s3 =	sadd.s32 s19, s18  }
0xa2: {  	s7 =	simm.s32 $0x0;
	s20 =	sshll.u32 s5, $0x1;
	s5 =	sadd.s32 s21, s3  }
0xa3: {  	[timem:s7], [sflag:s22] =	dma.local [hbm:s5], s20  }
0xa4: {  	_ =	swait.ge [sflag:s22], s20  }
0xa5: {  	s4 =	ssub.s32 $0x0, s20;
	[sflag:s22] =	ssyncset.done $0x0  }
0xa6: {  	[sflag:s22] =	ssyncadd.s32 s4;
	_ =	sdelay $0x1  }
0xa7: {  	s23 =	simm.s32 $0x1B8B  }
0xa8: {  	_ =	swait.ge [sflag:s23], $0x1  }
0xa9: {  	[sflag:s23] =	ssyncset.done $0x0  }
0xaa: {  	s25 =	simm.s32 $0x1B8E;
	s24 =	sld [smem:$0x3FFE];
	[sflag:s23] =	ssyncadd.s32 $0xFFFFFFFF  }
0xab: {  	s26 =	simm.s32 $execute0_lowered;
	[smem:$0x3FD2] =	sst s25  }
0xac: {  	s5 =	sshll.u32 s26, $0x1;
	_ =	strace $0x80000049;
	[dreg:$0x1] =	wrdreg $0xFFFFFFFF  }
0xad: {  	s28 =	simm.s32 $_size_execute0_lowered;
	s3 =	sadd.s32 s3, s5;
	[dreg:$0x0] =	wrdreg $0x0  }
0xae: {  	s5 =	sshll.u32 s28, $0x1;
	[dreg:$0x2] =	wrdreg s3  }
0xaf: {  	[dreg:$0x3] =	wrdreg s5  }
0xb0: {  	[dreg:$0x4] =	wrdreg $0xC0  }
0xb1: {  	_ =	task [dreg:s7], $0x5FFFF  }
0xb2: {  	[dreg:$0x1] =	wrdreg $0xFFFFFFFF  }
0xb3: {  	[dreg:$0x0] =	wrdreg $0x60  }
0xb4: {  	[dreg:$0x2] =	wrdreg s24  }
0xb5: {  	[dreg:$0x3] =	wrdreg s16  }
0xb6: {  	[dreg:$0x4] =	wrdreg $0x9  }
0xb7: {  	_ =	task.clear_ibuf [dreg:s7], $0x5FFFF;
	_ =	strace $0x90000049  }
0xb8: {  	s29 =	simm.s32 $0x9;
	_ =	strace $0x8000004B  }
0xb9: {  	_ =	swait.ge [sflag:s29], $0x1  }
0xba: {  	[sflag:s29] =	ssyncadd.s32 $0xFFFFFFFF  }
0xbb: {  	_ =	strace $0x9000004B  }
0xbc: {  	_ =	sfence  }
0xbd: {  	s30 =	sld [smem:$0x0];
	_ =	sdelay $0x2  }
0xbe: {  	s31 =	sshll.u32 s1, $0xD;
	s1 =	sshrl.u32 s1, $0x2  }
0xbf: {  	s3 =	sand.u32 $0x4000, s31;
	s1 =	sadd.s32 s1, s30  }
0xc0: {  	s0 =	sor.u32 s3, s0;
	s1 =	sshll.u32 s1, $0x11  }
0xc1: {  	s0 =	sor.u32 s1, s0  }
0xc2: {  	s0 =	sadd.s32 $0x8F2B, s0  }
0xc3: {  	[sflag:s0] =	ssyncadd.remote.s32 $0x1  }
0xc4: {  	_ =	sfence.sel $0xFFFF  }
0xc5: {  	[dreg:$0x0] =	wrdreg $0xFFFFFFFF;
	(pc) =	sbr.abs _section_cstart, $3  }
0xc6: {  	[dreg:$0x1] =	wrdreg $0xFFFFFFFF  }
0xc7: {  	_ =	task.clear_ibuf [dreg:s7], $0x2FFFF;
	_ =	strace $0x9FFFFFFF  }
0xc8: {  	(tm) =	ssettm $0x7FFFFFFF  }
0xc9: {  	_ =	shalt  }
tec
execute0_lowered:
.L_overlay_start_1:
0x0: {  	(tag) =	ssettag $0x1  }
0x1: {  	s5 =	rddreg [dreg:$0x0]  }
0x2: {  	s6 =	rddreg [dreg:$0x1]  }
0x3: {  	s0 =	rddreg [dreg:$0x2];
	s2 =	simm.s32 $0x0  }
0x4: {  	s3 =	srdreg.scid;
	s1 =	stileid.u32;
	s16 =	simm.s32 $0x1500  }
0x5: {  	s17 =	simm.s32 $0x0;
	[smem:$0x7FF] =	sst s2;
	s8 =	sand.u32 $0x1, s3  }
0x6: {  	s7 =	sshll.u32 s1, $0x1;
	s3 =	sadd.s32 $0x20A200, s5;
	s24 =	smul.u32 $0x2800, s1  }
0x7: {  	s4 =	sadd.s32 $0x2200, s5;
	s10 =	sadd.s32 $0x3600, s5;
	s15 =	smul.u32 $0x50, s1  }
0x8: {  	p0 =	seq.s32 s1, $0xF;
	_ =	strace $0x8000004A;
	s26 =	smul.u32 $0x1400, s8  }
0x9: {  	s7 =	sor.u32 s8, s7;
	s9 =	ssub.s32 $0x2, s8;
	s29 =	smul.u32 $0x28, s8  }
0xa: {  	s11 =	smul.u32 $0x28, s7;
	s12 =	sshll.u32 s7, $0xA;
	s13 =	sshrl.u32 s9, $0x1  }
0xb: {  	s14 =	smul.u32 $0x1400, s7;
	s7 =	sshll.u32 s7, $0x3;
	s12 =	sadd.s32 s12, s5  }
0xc: {  	s9 =	ssub.s32 s9, s13;
	s6 =	sadd.s32 s6, s7;
	s31 =	sadd.s32 s29, s15  }
0xd: {  	s13 =	simm.s32 $0x28;
	s15 =	simm.s32 $0x2;
	s25 =	sshrl.u32 s11, $0x3  }
0xe: {  	s7 =	sadd.s32 $0x99600, s12;
	s28 =	sshrl.u32 s14, $0x3;
	s8 =	smax.u32 s9, $0x1  }
0xf: {  	s11 =	sadd.s32 s26, s24;
	s12 =	simm.s32 $0x3;
	s14 =	simm.s32 $0x100  }
0x10: {  	s5 =	sadd.s32 s4, s25;
	s30 =	sadd.s32 s10, s28;
	s11 =	sshrl.u32 s11, $0x3  }
0x11: {  	s9 =	sadd.s32 $0x91000, s30;
	s10 =	sadd.s32 s11, s10;
	s11 =	sadd.s32 $0x500, s31  }
.LBB2_1:
0x12: {  	[tilespmem:s2], [sflag:$0x3] =	stream.linear.gather [hbm4b:s5+s2], $0x28, $0x38;
	[tilespmem:$0x4980] =	vst v63  }
0x13: {  	_ =	swait.ge [sflag:s12], $0x28  }
0x14: {  	s18 =	sand.u32 $0x1, s2;
	[sflag:s12] =	ssyncset.done $0x0  }
0x15: {  	s30 =	sshrl.u32 s11, $0x3;
	p1 =	seq.s32 s18, $0x1;
	[sflag:s12] =	ssyncadd.s32 $0xFFFFFFD8  }
0x16: {  	[tilespmem:s14], [sflag:$0x1] =	stream.indirect.gather [hbm4b:s3+s13], $0x80, s2, s13, $0xb8;
	[tilespmem:$0x4980] =	vst v63  }
0x17: {  	s18 =	sadd.s32 s4, s30;
	s19 =	simm.s32 @p1 $0x0;
	s20 =	simm.s32 @p1 $0x4  }
0x18: {  	[tilespmem:s19], [sflag:$0x4] =	stream.linear.gather @p1 [hbm4b:s18+s19], $0x28, $0x38;
	[tilespmem:$0x4980] =	vst v63  }
0x19: {  	_ =	swait.ge @p1 [sflag:s20], $0x28  }
0x1a: {  	s21 =	simm.s32 @p1 $0x28;
	[sflag:s20] =	ssyncset.done @p1 $0x0  }
0x1b: {  	s22 =	simm.s32 @p1 $0x100;
	[sflag:s20] =	ssyncadd.s32 @p1 $0xFFFFFFD8;
	s20 =	simm.s32 @p1 $0x2  }
0x1c: {  	[tilespmem:s22], [sflag:$0x1] =	stream.indirect.gather @p1 [hbm4b:s3+s21], $0x80, s19, s21, $0xb8;
	[tilespmem:$0x4980] =	vst v63  }
0x1d: {  	_ =	swait.ge @p1 [sflag:s20], $0x1400  }
0x1e: {  	[sflag:s20] =	ssyncset.done @p1 $0x0  }
0x1f: {  	s21 =	simm.s32 @p1 $0x1500;
	[sflag:s20] =	ssyncadd.s32 @p1 $0xFFFFEC00  }
0x20: {  	[hbm4b:s10+s19] =	stream.linear.scatter @p1 [tilespmem:s21], [sflag:$0x3], $0x1400, $0x38;
	[tilespmem:$0x4980] =	vst v63  }
0x21: {  	s20 =	simm.s32 @!p1 $0x0;
	s19 =	simm.s32 @!p1 $0x80;
	s21 =	simm.s32 @!p1 $0x4  }
0x22: {  	[tilespmem:s19], [sflag:$0x4] =	stream.linear.gather @!p1 [hbm4b:s18+s20], $0x28, $0x38;
	[tilespmem:$0x4980] =	vst v63  }
0x23: {  	_ =	swait.ge @!p1 [sflag:s21], $0x28  }
0x24: {  	s23 =	simm.s32 @!p1 $0x1;
	[sflag:s21] =	ssyncset.done @!p1 $0x0  }
0x25: {  	s22 =	simm.s32 @!p1 $0x1500;
	s18 =	simm.s32 @!p1 $0x28;
	[sflag:s21] =	ssyncadd.s32 @!p1 $0xFFFFFFD8  }
0x26: {  	[tilespmem:s22], [sflag:$0x2] =	stream.indirect.gather @!p1 [hbm4b:s3+s18], $0x80, s19, s18, $0xb8;
	[tilespmem:$0x4980] =	vst v63  }
0x27: {  	_ =	swait.ge @!p1 [sflag:s23], $0x1400  }
0x28: {  	s31 =	simm.s32 $0x1;
	s24 =	simm.s32 @!p1 $0x100;
	[sflag:s23] =	ssyncset.done @!p1 $0x0  }
0x29: {  	s21 =	simm.s32 @p1 $0x3;
	s19 =	simm.s32 $0x2;
	[sflag:s23] =	ssyncadd.s32 @!p1 $0xFFFFEC00  }
0x2a: {  	[hbm4b:s10+s20] =	stream.linear.scatter @!p1 [tilespmem:s24], [sflag:$0x4], $0x1400, $0x38;
	[tilespmem:$0x4980] =	vst v63  }
0x2b: {  	s18 =	sadd.s32 $0x5000, s10;
	s22 =	sand.u32 $0x1, s31;
	s20 =	sadd.s32 $0x500, s11  }
0x2c: {  	p1 =	seq.s32 s22, $0x1;
	s22 =	sshrl.u32 s20, $0x3;
	_ =	swait.ge [sflag:s21], $0x1400  }
.LBB2_2:
0x2d: {  	s22 =	sadd.s32 s4, s22;
	s23 =	simm.s32 @p1 $0x0  }
0x2e: {  	[sflag:s21] =	ssyncset.done $0x0;
	s24 =	smov.u32 s19;
	s25 =	smov.u32 s18  }
0x2f: {  	s19 =	sadd.s32 $0x1, s19;
	s26 =	simm.s32 @p1 $0x4;
	[sflag:s21] =	ssyncadd.s32 $0xFFFFEC00  }
0x30: {  	[tilespmem:s23], [sflag:$0x4] =	stream.linear.gather @p1 [hbm4b:s22+s23], $0x28, $0x38;
	[tilespmem:$0x4980] =	vst v63  }
0x31: {  	p2 =	sne.s32 s19, $0x1D;
	_ =	swait.ge @p1 [sflag:s26], $0x28  }
0x32: {  	s28 =	simm.s32 @p1 $0x100;
	s21 =	simm.s32 @p1 $0x28;
	[sflag:s26] =	ssyncset.done @p1 $0x0  }
0x33: {  	[sflag:s26] =	ssyncadd.s32 @p1 $0xFFFFFFD8;
	s26 =	simm.s32 @p1 $0x2  }
0x34: {  	[tilespmem:s28], [sflag:$0x1] =	stream.indirect.gather @p1 [hbm4b:s3+s21], $0x80, s23, s21, $0xb8;
	[tilespmem:$0x4980] =	vst v63  }
0x35: {  	_ =	swait.ge @p1 [sflag:s26], $0x1400  }
0x36: {  	s21 =	simm.s32 @p1 $0x1500;
	[sflag:s26] =	ssyncset.done @p1 $0x0  }
0x37: {  	[sflag:s26] =	ssyncadd.s32 @p1 $0xFFFFEC00  }
0x38: {  	[hbm4b:s18+s23] =	stream.linear.scatter @p1 [tilespmem:s21], [sflag:$0x3], $0x1400, $0x38;
	[tilespmem:$0x4980] =	vst v63  }
0x39: {  	s26 =	simm.s32 @!p1 $0x80;
	s23 =	simm.s32 @!p1 $0x0;
	s21 =	simm.s32 @!p1 $0x4  }
0x3a: {  	[tilespmem:s26], [sflag:$0x4] =	stream.linear.gather @!p1 [hbm4b:s22+s23], $0x28, $0x38;
	[tilespmem:$0x4980] =	vst v63  }
0x3b: {  	_ =	swait.ge @!p1 [sflag:s21], $0x28  }
0x3c: {  	s28 =	simm.s32 @!p1 $0x1500;
	s22 =	simm.s32 @!p1 $0x28;
	[sflag:s21] =	ssyncset.done @!p1 $0x0  }
0x3d: {  	s29 =	simm.s32 @!p1 $0x1;
	[sflag:s21] =	ssyncadd.s32 @!p1 $0xFFFFFFD8  }
0x3e: {  	[tilespmem:s28], [sflag:$0x2] =	stream.indirect.gather @!p1 [hbm4b:s3+s22], $0x80, s26, s22, $0xb8;
	[tilespmem:$0x4980] =	vst v63  }
.Ltmp0:
0x3f: {  	s18 =	sadd.s32 $0x5000, s18;
	_ =	swait.ge @!p1 [sflag:s29], $0x1400;
	(pc) =	sbr.rel @p2 .LBB2_2-.Ltmp0, $4  }
0x40: {  	s21 =	simm.s32 @p1 $0x3;
	s22 =	simm.s32 @!p1 $0x100;
	[sflag:s29] =	ssyncset.done @!p1 $0x0  }
0x41: {  	s20 =	sadd.s32 $0x500, s20;
	s24 =	sand.u32 $0x1, s24;
	[sflag:s29] =	ssyncadd.s32 @!p1 $0xFFFFEC00  }
0x42: {  	[hbm4b:s25+s23] =	stream.linear.scatter @!p1 [tilespmem:s22], [sflag:$0x4], $0x1400, $0x38;
	[tilespmem:$0x4980] =	vst v63  }
0x43: {  	p1 =	seq.s32 s24, $0x1;
	s22 =	sshrl.u32 s20, $0x3;
	_ =	swait.ge [sflag:s21], $0x1400  }
0x44: {  	s19 =	sadd.s32 s4, s22;
	[sflag:s21] =	ssyncset.done $0x0  }
0x45: {  	s20 =	simm.s32 @p1 $0x0;
	s22 =	simm.s32 @p1 $0x4;
	[sflag:s21] =	ssyncadd.s32 $0xFFFFEC00  }
0x46: {  	[tilespmem:s20], [sflag:$0x4] =	stream.linear.gather @p1 [hbm4b:s19+s20], $0x28, $0x38;
	[tilespmem:$0x4980] =	vst v63  }
0x47: {  	_ =	swait.ge @p1 [sflag:s22], $0x28  }
0x48: {  	s23 =	simm.s32 @p1 $0x100;
	[sflag:s22] =	ssyncset.done @p1 $0x0  }
0x49: {  	s21 =	simm.s32 @p1 $0x28;
	[sflag:s22] =	ssyncadd.s32 @p1 $0xFFFFFFD8;
	s22 =	simm.s32 @p1 $0x2  }
0x4a: {  	[tilespmem:s23], [sflag:$0x1] =	stream.indirect.gather @p1 [hbm4b:s3+s21], $0x80, s20, s21, $0xb8;
	[tilespmem:$0x4980] =	vst v63  }
0x4b: {  	_ =	swait.ge @p1 [sflag:s22], $0x1400  }
0x4c: {  	[sflag:s22] =	ssyncset.done @p1 $0x0  }
0x4d: {  	s21 =	simm.s32 @p1 $0x1500;
	[sflag:s22] =	ssyncadd.s32 @p1 $0xFFFFEC00  }
0x4e: {  	[hbm4b:s18+s20] =	stream.linear.scatter @p1 [tilespmem:s21], [sflag:$0x3], $0x1400, $0x38;
	[tilespmem:$0x4980] =	vst v63  }
0x4f: {  	s22 =	simm.s32 @!p1 $0x4;
	s20 =	simm.s32 @!p1 $0x0;
	s21 =	simm.s32 @!p1 $0x80  }
0x50: {  	[tilespmem:s21], [sflag:$0x4] =	stream.linear.gather @!p1 [hbm4b:s19+s20], $0x28, $0x38;
	[tilespmem:$0x4980] =	vst v63  }
0x51: {  	_ =	swait.ge @!p1 [sflag:s22], $0x28  }
0x52: {  	s24 =	simm.s32 @!p1 $0x1;
	[sflag:s22] =	ssyncset.done @!p1 $0x0  }
0x53: {  	s23 =	simm.s32 @!p1 $0x1500;
	s19 =	simm.s32 @!p1 $0x28;
	[sflag:s22] =	ssyncadd.s32 @!p1 $0xFFFFFFD8  }
0x54: {  	[tilespmem:s23], [sflag:$0x2] =	stream.indirect.gather @!p1 [hbm4b:s3+s19], $0x80, s21, s19, $0xb8;
	[tilespmem:$0x4980] =	vst v63  }
0x55: {  	_ =	swait.ge @!p1 [sflag:s24], $0x1400  }
0x56: {  	[sflag:s24] =	ssyncset.done @!p1 $0x0  }
0x57: {  	s22 =	simm.s32 @p1 $0x3;
	s19 =	simm.s32 @!p1 $0x100;
	[sflag:s24] =	ssyncadd.s32 @!p1 $0xFFFFEC00  }
0x58: {  	[hbm4b:s18+s20] =	stream.linear.scatter @!p1 [tilespmem:s19], [sflag:$0x4], $0x1400, $0x38;
	[tilespmem:$0x4980] =	vst v63  }
0x59: {  	_ =	swait.ge [sflag:s22], $0x1400  }
0x5a: {  	[sflag:s22] =	ssyncset.done $0x0  }
0x5b: {  	[sflag:s22] =	ssyncadd.s32 $0xFFFFEC00  }
0x5c: {  	_ =	swait.ge [sflag:s15], $0x1400  }
0x5d: {  	[sflag:s15] =	ssyncset.done $0x0  }
0x5e: {  	[sflag:s15] =	ssyncadd.s32 $0xFFFFEC00  }
0x5f: {  	[hbm4b:s9+s2] =	stream.linear.scatter [tilespmem:s16], [sflag:$0x3], $0x1400, $0x38;
	[tilespmem:$0x4980] =	vst v63  }
0x60: {  	_ =	swait.ge [sflag:s12], $0x1400  }
0x61: {  	s18 =	simm.s32 @!p0 $0x0;
	[sflag:s12] =	ssyncset.done $0x0  }
0x62: {  	s19 =	simm.s32 @!p0 $0x2900;
	s20 =	simm.s32 @!p0 $0x3;
	[sflag:s12] =	ssyncadd.s32 $0xFFFFEC00  }
0x63: {  	[tilespmem:s19], [sflag:$0x3] =	stream.linear.gather @!p0 [hbm4b:s6+s18], $0x40, $0x38;
	[tilespmem:$0x4980] =	vst v63  }
0x64: {  	_ =	swait.ge @!p0 [sflag:s20], $0x40  }
0x65: {  	[sflag:s20] =	ssyncset.done @!p0 $0x0  }
0x66: {  	s21 =	simm.s32 @!p0 $0x40;
	s22 =	simm.s32 @!p0 $0x2980;
	[sflag:s20] =	ssyncadd.s32 @!p0 $0xFFFFFFC0  }
0x67: {  	[tilespmem:s22], [sflag:$0x1] =	stream.indirect.gather @!p0 [hbm4b:s3+s21], $0x80, s19, s21, $0xb8;
	[tilespmem:$0x4980] =	vst v63  }
0x68: {  	s19 =	simm.s32 @!p0 $0x1  }
0x69: {  	s17 =	sadd.s32 $0x1, s17;
	_ =	swait.ge @!p0 [sflag:s19], $0x2000  }
0x6a: {  	p1 =	sne.s32 s17, s8;
	[sflag:s19] =	ssyncset.done @!p0 $0x0  }
.Ltmp1:
0x6b: {  	[sflag:s19] =	ssyncadd.s32 @!p0 $0xFFFFE000;
	(pc) =	sbr.rel @p1 .LBB2_1-.Ltmp1, $4  }
0x6c: {  	[hbm4b:s7+s18] =	stream.linear.scatter @!p0 [tilespmem:s22], [sflag:$0x3], $0x2000, $0x38;
	[tilespmem:$0x4980] =	vst v63  }
0x6d: {  	_ =	swait.ge @!p0 [sflag:s20], $0x2000  }
0x6e: {  	[sflag:s20] =	ssyncset.done @!p0 $0x0  }
0x6f: {  	[sflag:s20] =	ssyncadd.s32 @!p0 $0xFFFFE000  }
0x70: {  	_ =	sfence.sel $0x180000  }
0x71: {  	[bflag:$0x0] =	sbarrier.arrive $0xFFFF  }
0x72: {  	p0 =	sne.s32 s1, $0x0;
	_ =	strace $0x9000004A  }
0x73: {  	s0 =	sadd.s32 @!p0 $0x100000, s0;
	[bflag:$0x2] =	sbarrier.arrive $0xFFFF  }
0x74: {  	[sflag:s0] =	ssyncadd.tile.s32 @!p0 $0x1;
	_ =	shalt  }
.Lfunc_end2:
_tile_overlayer_lowered:
.L_overlay_start_2:
0x75: {  	(tag) =	ssettag $0x2  }
0x76: {  	s0 =	rddreg [dreg:$0x0];
	s2 =	stileid.u32  }
0x77: {  	s1 =	rddreg [dreg:$0x1];
	p0 =	sne.s32 s2, $0x0  }
0x78: {  	s3 =	rddreg [dreg:$0x2];
	[bflag:$0x3] =	sbarrier.arrive $0xFFFF;
	s2 =	simm.s32 @!p0 $0x1C03  }
0x79: {  	[timem:s3], [sflag:s2] =	dma.local @!p0 [hbm:s0], s1  }
0x7a: {  	s0 =	simm.s32 @!p0 $0x3  }
0x7b: {  	_ =	swait.ge @!p0 [sflag:s0], s1  }
0x7c: {  	s1 =	ssub.s32 @!p0 $0x0, s1;
	[sflag:s0] =	ssyncset.done @!p0 $0x0  }
0x7d: {  	[sflag:s0] =	ssyncadd.s32 @!p0 s1  }
0x7e: {  	[bflag:$0x3] =	sbarrier.arrive $0xFFFF  }
0x7f: {  	_ =	shalt  }

</sc_bundles>
